<compile_context>
chip_gen: v7x
topology: tpu7x:2x2x1
jax: 0.10.2.dev20260603
libtpu: 0.0.44.dev20260713+nightly
codegen_flags: <defaults>
</compile_context>

<pallas_src>
import functools

import jax
import jax.numpy as jnp
from jax import lax
from jax.experimental import pallas as pl
from jax.experimental.pallas import tpu as pltpu
from jax.experimental.pallas import tpu_sc as plsc

D = 1024
NC = 2
NS = 16
NW = NC * NS
CHUNK = 32
NBUF = 3


def kernel(position_ids, table):
    batch, seq = position_ids.shape
    total = batch * seq
    per_w = total // NW
    n_chunk = per_w // CHUNK
    main_iters = n_chunk // NBUF
    idx = position_ids.reshape(total)

    mesh = plsc.VectorSubcoreMesh(core_axis_name="c", subcore_axis_name="s")

    @functools.partial(
        pl.kernel,
        out_type=jax.ShapeDtypeStruct((total, D), jnp.float32),
        mesh=mesh,
        scratch_types=(
            [pltpu.VMEM((per_w,), jnp.int32)]
            + [pltpu.VMEM((CHUNK, D), jnp.float32) for _ in range(NBUF)]
            + [pltpu.SemaphoreType.DMA for _ in range(2 * NBUF)]
        ),
    )
    def gather_kernel(idx_hbm, table_hbm, out_hbm, idx_v, *rest):
        bufs = rest[:NBUF]
        gsem = rest[NBUF:2 * NBUF]
        wsem = rest[2 * NBUF:]
        wid = lax.axis_index("s") * NC + lax.axis_index("c")
        base = wid * per_w
        pltpu.sync_copy(idx_hbm.at[pl.ds(base, per_w)], idx_v)

        def gather(c, b):
            return pltpu.make_async_copy(
                table_hbm.at[idx_v.at[pl.ds(c * CHUNK, CHUNK)]],
                bufs[b], gsem[b])

        def write(c, b):
            return pltpu.make_async_copy(
                bufs[b], out_hbm.at[pl.ds(base + c * CHUNK, CHUNK)], wsem[b])

        def step(i, b):
            pb = (b - 1) % NBUF

            @pl.when((i >= 1) & (i - 1 + NBUF < n_chunk))
            def _():
                write(i - 1, pb).wait()
                gather(i - 1 + NBUF, pb).start()

            gather(i, b).wait()
            write(i, b).start()

        for b in range(NBUF):
            gather(b, b).start()

        @pl.loop(0, main_iters)
        def _(j):
            for b in range(NBUF):
                step(j * NBUF + b, b)

        for i in range(main_iters * NBUF, n_chunk):
            gather(i, i % NBUF).wait()
            write(i, i % NBUF).start()
        for i in range(n_chunk - NBUF, n_chunk):
            write(i, i % NBUF).wait()

    out = gather_kernel(idx, table)
    return out.reshape(batch, seq, D)

# --- scband reference (transcript-rebuilt; emitter-appended) ---
"""Pipeline reference for scband-sinusoidal-position-encoding-15805479649295 (READ-ONLY COPY).

The authoritative reference and input builder live on the scoring server;
editing this copy changes nothing except your own understanding.
"""

import jax, jax.numpy as jnp
import numpy as np

MAX_POSITION = 8192
EMBEDDING_SIZE = 1024
BATCH = 4
SEQ_LEN = 8192


def get_sinusoid_encoding_table(n_position, d_hid):
    # Faithful translation of the classic get_sinusoid_encoding_table:
    # angle[pos, j] = pos / 10000^(2*(j//2)/d_hid); sin on even dims, cos on odd dims.
    pos = np.arange(n_position, dtype=np.float64)[:, None]
    j = np.arange(d_hid, dtype=np.float64)[None, :]
    angle = pos / np.power(10000.0, 2.0 * np.floor(j / 2.0) / d_hid)
    j_int = np.arange(d_hid)[None, :]
    table = np.where((j_int % 2) == 0, np.sin(angle), np.cos(angle))
    return jnp.asarray(table, dtype=jnp.float32)


def setup_inputs(seed: int = 0) -> dict:
    key = jax.random.key(seed)
    position_ids = jax.random.randint(key, (BATCH, SEQ_LEN), 0, MAX_POSITION, dtype=jnp.int32)
    table = get_sinusoid_encoding_table(MAX_POSITION, EMBEDDING_SIZE)
    return {"position_ids": position_ids, "table": table}


def reference(position_ids, table):
    # nn.Embedding lookup -> row gather from the (frozen) sinusoidal table.
    return jnp.take(table, position_ids, axis=0)

if __name__ == "__main__":
    import jax
    _d = setup_inputs()
    print(jax.jit(kernel)(*tuple(_d.values())))

</pallas_src>

<mosaic_0001>
#map = affine_map<(d0, d1) -> (0)>
#map1 = affine_map<(d0, d1) -> (0, 0)>
module attributes {stable_mosaic.version = 14 : i64} {
  func.func @gather_kernel(%arg0: i32, %arg1: i32, %arg2: memref<32768xi32, #tpu.memory_space<hbm>>, %arg3: memref<8192x1024xf32, #tpu.memory_space<hbm>>, %arg4: memref<32768x1024xf32, #tpu.memory_space<hbm>>, %arg5: memref<1024xi32, #tpu.memory_space<vmem>>, %arg6: memref<32x1024xf32, #tpu.memory_space<vmem>>, %arg7: memref<32x1024xf32, #tpu.memory_space<vmem>>, %arg8: memref<32x1024xf32, #tpu.memory_space<vmem>>, %arg9: memref<!tpu.dma_semaphore, #tpu.memory_space<semaphore_mem>>, %arg10: memref<!tpu.dma_semaphore, #tpu.memory_space<semaphore_mem>>, %arg11: memref<!tpu.dma_semaphore, #tpu.memory_space<semaphore_mem>>, %arg12: memref<!tpu.dma_semaphore, #tpu.memory_space<semaphore_mem>>, %arg13: memref<!tpu.dma_semaphore, #tpu.memory_space<semaphore_mem>>, %arg14: memref<!tpu.dma_semaphore, #tpu.memory_space<semaphore_mem>>) attributes {dimension_semantics = [#tpu.dimension_semantics<core_parallel>, #tpu.dimension_semantics<subcore_parallel>], iteration_bounds = array<i64: 2, 16>, scalar_prefetch = 0 : i64, scratch_operands = 10 : i64, tpu.core_type = #tpu.core_type<sc_vector_subcore>, window_params = [{transform_indices = #map}, {transform_indices = #map1}, {transform_indices = #map1}]} {
    %mul3A = arith.constant 2 : i32
    %mul3A_0 = arith.muli %arg1, %mul3A : i32
    %add3A = arith.addi %mul3A_0, %arg0 : i32
    %mul3A_1 = arith.constant 1024 : i32
    %mul3A_2 = arith.muli %add3A, %mul3A_1 : i32
    "tpu.region"() ({
      %run_scoped3A = tpu.sem_alloc : memref<!tpu.dma_semaphore, #tpu.memory_space<semaphore_mem>>
      %dma_start3A_60 = tpu.memref_slice %arg2[%mul3A_2] : memref<32768xi32, #tpu.memory_space<hbm>> -> memref<1024xi32, #tpu.memory_space<hbm>>
      %dma_start3A_61 = tpu.memref_slice %arg2[%mul3A_2] : memref<32768xi32, #tpu.memory_space<hbm>> -> memref<1024xi32, #tpu.memory_space<hbm>>
      tpu.enqueue_dma source(%dma_start3A_61 : memref<1024xi32, #tpu.memory_space<hbm>>) target(%arg5 : memref<1024xi32, #tpu.memory_space<vmem>>) target_semaphore(%run_scoped3A : memref<!tpu.dma_semaphore, #tpu.memory_space<semaphore_mem>>)
      %dma_wait3A_62 = tpu.memref_slice %arg2[%mul3A_2] : memref<32768xi32, #tpu.memory_space<hbm>> -> memref<1024xi32, #tpu.memory_space<hbm>>
      %dma_wait3A_63 = tpu.memref_slice %arg2[%mul3A_2] : memref<32768xi32, #tpu.memory_space<hbm>> -> memref<1024xi32, #tpu.memory_space<hbm>>
      tpu.wait_dma2 semaphore(%run_scoped3A : memref<!tpu.dma_semaphore, #tpu.memory_space<semaphore_mem>>) src(%dma_wait3A_63 : memref<1024xi32, #tpu.memory_space<hbm>>) dst(%arg5 : memref<1024xi32, #tpu.memory_space<vmem>>)
      tpu.yield
    }) : () -> ()
    %dma_start3A = arith.constant 0 : i32
    %dma_start3A_3 = tpu.memref_slice %arg5[%dma_start3A] : memref<1024xi32, #tpu.memory_space<vmem>> -> memref<32xi32, #tpu.memory_space<vmem>>
    %dma_start3A_4 = arith.constant 0 : i32
    %dma_start3A_5 = arith.constant 0 : i32
    %dma_start3A_6 = tpu.memref_slice %arg3[%dma_start3A_4, %dma_start3A_5] : memref<8192x1024xf32, #tpu.memory_space<hbm>> -> memref<8192x1024xf32, #tpu.memory_space<hbm>>
    tpu.enqueue_indirect_dma source(%dma_start3A_6 : memref<8192x1024xf32, #tpu.memory_space<hbm>>) target(%arg6 : memref<32x1024xf32, #tpu.memory_space<vmem>>) offsets(%dma_start3A_3 : memref<32xi32, #tpu.memory_space<vmem>>) semaphore(%arg9 : memref<!tpu.dma_semaphore, #tpu.memory_space<semaphore_mem>>)
    %dma_start3A_7 = arith.constant 32 : i32
    %dma_start3A_8 = tpu.memref_slice %arg5[%dma_start3A_7] : memref<1024xi32, #tpu.memory_space<vmem>> -> memref<32xi32, #tpu.memory_space<vmem>>
    %dma_start3A_9 = arith.constant 0 : i32
    %dma_start3A_10 = arith.constant 0 : i32
    %dma_start3A_11 = tpu.memref_slice %arg3[%dma_start3A_9, %dma_start3A_10] : memref<8192x1024xf32, #tpu.memory_space<hbm>> -> memref<8192x1024xf32, #tpu.memory_space<hbm>>
    tpu.enqueue_indirect_dma source(%dma_start3A_11 : memref<8192x1024xf32, #tpu.memory_space<hbm>>) target(%arg7 : memref<32x1024xf32, #tpu.memory_space<vmem>>) offsets(%dma_start3A_8 : memref<32xi32, #tpu.memory_space<vmem>>) semaphore(%arg10 : memref<!tpu.dma_semaphore, #tpu.memory_space<semaphore_mem>>)
    %dma_start3A_12 = arith.constant 64 : i32
    %dma_start3A_13 = tpu.memref_slice %arg5[%dma_start3A_12] : memref<1024xi32, #tpu.memory_space<vmem>> -> memref<32xi32, #tpu.memory_space<vmem>>
    %dma_start3A_14 = arith.constant 0 : i32
    %dma_start3A_15 = arith.constant 0 : i32
    %dma_start3A_16 = tpu.memref_slice %arg3[%dma_start3A_14, %dma_start3A_15] : memref<8192x1024xf32, #tpu.memory_space<hbm>> -> memref<8192x1024xf32, #tpu.memory_space<hbm>>
    tpu.enqueue_indirect_dma source(%dma_start3A_16 : memref<8192x1024xf32, #tpu.memory_space<hbm>>) target(%arg8 : memref<32x1024xf32, #tpu.memory_space<vmem>>) offsets(%dma_start3A_13 : memref<32xi32, #tpu.memory_space<vmem>>) semaphore(%arg11 : memref<!tpu.dma_semaphore, #tpu.memory_space<semaphore_mem>>)
    %scan3A = arith.constant 0 : i32
    %scan3A_17 = arith.constant 10 : i32
    %scan3A_18 = arith.addi %scan3A, %scan3A_17 : i32
    %scan3A_19 = arith.constant 1 : i32
    scf.for %scan3A_60 = %scan3A to %scan3A_18 step %scan3A_19  : i32 {
      %mul3A_61 = arith.constant 1 : i32
      %mul3A_62 = arith.muli %scan3A_60, %mul3A_61 : i32
      %add3A_63 = arith.constant 0 : i32
      %add3A_64 = arith.addi %add3A_63, %mul3A_62 : i32
      %mul3A_65 = arith.constant 3 : i32
      %mul3A_66 = arith.muli %add3A_64, %mul3A_65 : i32
      %add3A_67 = arith.constant 0 : i32
      %add3A_68 = arith.addi %mul3A_66, %add3A_67 : i32
      %ge3A = arith.constant 1 : i32
      %ge3A_69 = arith.cmpi sge, %add3A_68, %ge3A : i32
      %sub3A = arith.constant 1 : i32
      %sub3A_70 = arith.subi %add3A_68, %sub3A : i32
      %add3A_71 = arith.constant 3 : i32
      %add3A_72 = arith.addi %sub3A_70, %add3A_71 : i32
      %lt3A = arith.constant 32 : i32
      %lt3A_73 = arith.cmpi slt, %add3A_72, %lt3A : i32
      %and3A = arith.andi %ge3A_69, %lt3A_73 : i1
      %convert_element_type3A = arith.extui %and3A : i1 to i32
      %cond3A = arith.constant 0 : i32
      %cond3A_74 = arith.cmpi ne, %convert_element_type3A, %cond3A : i32
      scf.if %cond3A_74 {
        %sub3A_146 = arith.constant 1 : i32
        %sub3A_147 = arith.subi %add3A_68, %sub3A_146 : i32
        %mul3A_148 = arith.constant 32 : i32
        %mul3A_149 = arith.muli %sub3A_147, %mul3A_148 : i32
        %add3A_150 = arith.addi %mul3A_2, %mul3A_149 : i32
        %dma_wait3A_151 = arith.constant 0 : i32
        %dma_wait3A_152 = tpu.memref_slice %arg4[%add3A_150, %dma_wait3A_151] : memref<32768x1024xf32, #tpu.memory_space<hbm>> -> memref<32x1024xf32, #tpu.memory_space<hbm>>
        %dma_wait3A_153 = arith.constant 0 : i32
        %dma_wait3A_154 = tpu.memref_slice %arg4[%add3A_150, %dma_wait3A_153] : memref<32768x1024xf32, #tpu.memory_space<hbm>> -> memref<32x1024xf32, #tpu.memory_space<hbm>>
        tpu.wait_dma2 semaphore(%arg14 : memref<!tpu.dma_semaphore, #tpu.memory_space<semaphore_mem>>) src(%arg8 : memref<32x1024xf32, #tpu.memory_space<vmem>>) dst(%dma_wait3A_154 : memref<32x1024xf32, #tpu.memory_space<hbm>>)
        %sub3A_155 = arith.constant 1 : i32
        %sub3A_156 = arith.subi %add3A_68, %sub3A_155 : i32
        %add3A_157 = arith.constant 3 : i32
        %add3A_158 = arith.addi %sub3A_156, %add3A_157 : i32
        %mul3A_159 = arith.constant 32 : i32
        %mul3A_160 = arith.muli %add3A_158, %mul3A_159 : i32
        %dma_start3A_161 = tpu.memref_slice %arg5[%mul3A_160] : memref<1024xi32, #tpu.memory_space<vmem>> -> memref<32xi32, #tpu.memory_space<vmem>>
        %dma_start3A_162 = arith.constant 0 : i32
        %dma_start3A_163 = arith.constant 0 : i32
        %dma_start3A_164 = tpu.memref_slice %arg3[%dma_start3A_162, %dma_start3A_163] : memref<8192x1024xf32, #tpu.memory_space<hbm>> -> memref<8192x1024xf32, #tpu.memory_space<hbm>>
        tpu.enqueue_indirect_dma source(%dma_start3A_164 : memref<8192x1024xf32, #tpu.memory_space<hbm>>) target(%arg8 : memref<32x1024xf32, #tpu.memory_space<vmem>>) offsets(%dma_start3A_161 : memref<32xi32, #tpu.memory_space<vmem>>) semaphore(%arg11 : memref<!tpu.dma_semaphore, #tpu.memory_space<semaphore_mem>>)
      } else {
      }
      %mul3A_75 = arith.constant 32 : i32
      %mul3A_76 = arith.muli %add3A_68, %mul3A_75 : i32
      %dma_wait3A_77 = tpu.memref_slice %arg5[%mul3A_76] : memref<1024xi32, #tpu.memory_space<vmem>> -> memref<32xi32, #tpu.memory_space<vmem>>
      %dma_wait3A_78 = arith.constant 0 : i32
      %dma_wait3A_79 = arith.constant 0 : i32
      %dma_wait3A_80 = tpu.memref_slice %arg3[%dma_wait3A_78, %dma_wait3A_79] : memref<8192x1024xf32, #tpu.memory_space<hbm>> -> memref<8192x1024xf32, #tpu.memory_space<hbm>>
      tpu.wait_indirect_dma semaphore(%arg9 : memref<!tpu.dma_semaphore, #tpu.memory_space<semaphore_mem>>) src(%dma_wait3A_80 : memref<8192x1024xf32, #tpu.memory_space<hbm>>) dst(%arg6 : memref<32x1024xf32, #tpu.memory_space<vmem>>)
      %mul3A_81 = arith.constant 32 : i32
      %mul3A_82 = arith.muli %add3A_68, %mul3A_81 : i32
      %add3A_83 = arith.addi %mul3A_2, %mul3A_82 : i32
      %dma_start3A_84 = arith.constant 0 : i32
      %dma_start3A_85 = tpu.memref_slice %arg4[%add3A_83, %dma_start3A_84] : memref<32768x1024xf32, #tpu.memory_space<hbm>> -> memref<32x1024xf32, #tpu.memory_space<hbm>>
      %dma_start3A_86 = arith.constant 0 : i32
      %dma_start3A_87 = tpu.memref_slice %arg4[%add3A_83, %dma_start3A_86] : memref<32768x1024xf32, #tpu.memory_space<hbm>> -> memref<32x1024xf32, #tpu.memory_space<hbm>>
      tpu.enqueue_dma source(%arg6 : memref<32x1024xf32, #tpu.memory_space<vmem>>) target(%dma_start3A_87 : memref<32x1024xf32, #tpu.memory_space<hbm>>) target_semaphore(%arg12 : memref<!tpu.dma_semaphore, #tpu.memory_space<semaphore_mem>>)
      %mul3A_88 = arith.constant 3 : i32
      %mul3A_89 = arith.muli %add3A_64, %mul3A_88 : i32
      %add3A_90 = arith.constant 1 : i32
      %add3A_91 = arith.addi %mul3A_89, %add3A_90 : i32
      %ge3A_92 = arith.constant 1 : i32
      %ge3A_93 = arith.cmpi sge, %add3A_91, %ge3A_92 : i32
      %sub3A_94 = arith.constant 1 : i32
      %sub3A_95 = arith.subi %add3A_91, %sub3A_94 : i32
      %add3A_96 = arith.constant 3 : i32
      %add3A_97 = arith.addi %sub3A_95, %add3A_96 : i32
      %lt3A_98 = arith.constant 32 : i32
      %lt3A_99 = arith.cmpi slt, %add3A_97, %lt3A_98 : i32
      %and3A_100 = arith.andi %ge3A_93, %lt3A_99 : i1
      %convert_element_type3A_101 = arith.extui %and3A_100 : i1 to i32
      %cond3A_102 = arith.constant 0 : i32
      %cond3A_103 = arith.cmpi ne, %convert_element_type3A_101, %cond3A_102 : i32
      scf.if %cond3A_103 {
        %sub3A_146 = arith.constant 1 : i32
        %sub3A_147 = arith.subi %add3A_91, %sub3A_146 : i32
        %mul3A_148 = arith.constant 32 : i32
        %mul3A_149 = arith.muli %sub3A_147, %mul3A_148 : i32
        %add3A_150 = arith.addi %mul3A_2, %mul3A_149 : i32
        %dma_wait3A_151 = arith.constant 0 : i32
        %dma_wait3A_152 = tpu.memref_slice %arg4[%add3A_150, %dma_wait3A_151] : memref<32768x1024xf32, #tpu.memory_space<hbm>> -> memref<32x1024xf32, #tpu.memory_space<hbm>>
        %dma_wait3A_153 = arith.constant 0 : i32
        %dma_wait3A_154 = tpu.memref_slice %arg4[%add3A_150, %dma_wait3A_153] : memref<32768x1024xf32, #tpu.memory_space<hbm>> -> memref<32x1024xf32, #tpu.memory_space<hbm>>
        tpu.wait_dma2 semaphore(%arg12 : memref<!tpu.dma_semaphore, #tpu.memory_space<semaphore_mem>>) src(%arg6 : memref<32x1024xf32, #tpu.memory_space<vmem>>) dst(%dma_wait3A_154 : memref<32x1024xf32, #tpu.memory_space<hbm>>)
        %sub3A_155 = arith.constant 1 : i32
        %sub3A_156 = arith.subi %add3A_91, %sub3A_155 : i32
        %add3A_157 = arith.constant 3 : i32
        %add3A_158 = arith.addi %sub3A_156, %add3A_157 : i32
        %mul3A_159 = arith.constant 32 : i32
        %mul3A_160 = arith.muli %add3A_158, %mul3A_159 : i32
        %dma_start3A_161 = tpu.memref_slice %arg5[%mul3A_160] : memref<1024xi32, #tpu.memory_space<vmem>> -> memref<32xi32, #tpu.memory_space<vmem>>
        %dma_start3A_162 = arith.constant 0 : i32
        %dma_start3A_163 = arith.constant 0 : i32
        %dma_start3A_164 = tpu.memref_slice %arg3[%dma_start3A_162, %dma_start3A_163] : memref<8192x1024xf32, #tpu.memory_space<hbm>> -> memref<8192x1024xf32, #tpu.memory_space<hbm>>
        tpu.enqueue_indirect_dma source(%dma_start3A_164 : memref<8192x1024xf32, #tpu.memory_space<hbm>>) target(%arg6 : memref<32x1024xf32, #tpu.memory_space<vmem>>) offsets(%dma_start3A_161 : memref<32xi32, #tpu.memory_space<vmem>>) semaphore(%arg9 : memref<!tpu.dma_semaphore, #tpu.memory_space<semaphore_mem>>)
      } else {
      }
      %mul3A_104 = arith.constant 32 : i32
      %mul3A_105 = arith.muli %add3A_91, %mul3A_104 : i32
      %dma_wait3A_106 = tpu.memref_slice %arg5[%mul3A_105] : memref<1024xi32, #tpu.memory_space<vmem>> -> memref<32xi32, #tpu.memory_space<vmem>>
      %dma_wait3A_107 = arith.constant 0 : i32
      %dma_wait3A_108 = arith.constant 0 : i32
      %dma_wait3A_109 = tpu.memref_slice %arg3[%dma_wait3A_107, %dma_wait3A_108] : memref<8192x1024xf32, #tpu.memory_space<hbm>> -> memref<8192x1024xf32, #tpu.memory_space<hbm>>
      tpu.wait_indirect_dma semaphore(%arg10 : memref<!tpu.dma_semaphore, #tpu.memory_space<semaphore_mem>>) src(%dma_wait3A_109 : memref<8192x1024xf32, #tpu.memory_space<hbm>>) dst(%arg7 : memref<32x1024xf32, #tpu.memory_space<vmem>>)
      %mul3A_110 = arith.constant 32 : i32
      %mul3A_111 = arith.muli %add3A_91, %mul3A_110 : i32
      %add3A_112 = arith.addi %mul3A_2, %mul3A_111 : i32
      %dma_start3A_113 = arith.constant 0 : i32
      %dma_start3A_114 = tpu.memref_slice %arg4[%add3A_112, %dma_start3A_113] : memref<32768x1024xf32, #tpu.memory_space<hbm>> -> memref<32x1024xf32, #tpu.memory_space<hbm>>
      %dma_start3A_115 = arith.constant 0 : i32
      %dma_start3A_116 = tpu.memref_slice %arg4[%add3A_112, %dma_start3A_115] : memref<32768x1024xf32, #tpu.memory_space<hbm>> -> memref<32x1024xf32, #tpu.memory_space<hbm>>
      tpu.enqueue_dma source(%arg7 : memref<32x1024xf32, #tpu.memory_space<vmem>>) target(%dma_start3A_116 : memref<32x1024xf32, #tpu.memory_space<hbm>>) target_semaphore(%arg13 : memref<!tpu.dma_semaphore, #tpu.memory_space<semaphore_mem>>)
      %mul3A_117 = arith.constant 3 : i32
      %mul3A_118 = arith.muli %add3A_64, %mul3A_117 : i32
      %add3A_119 = arith.constant 2 : i32
      %add3A_120 = arith.addi %mul3A_118, %add3A_119 : i32
      %ge3A_121 = arith.constant 1 : i32
      %ge3A_122 = arith.cmpi sge, %add3A_120, %ge3A_121 : i32
      %sub3A_123 = arith.constant 1 : i32
      %sub3A_124 = arith.subi %add3A_120, %sub3A_123 : i32
      %add3A_125 = arith.constant 3 : i32
      %add3A_126 = arith.addi %sub3A_124, %add3A_125 : i32
      %lt3A_127 = arith.constant 32 : i32
      %lt3A_128 = arith.cmpi slt, %add3A_126, %lt3A_127 : i32
      %and3A_129 = arith.andi %ge3A_122, %lt3A_128 : i1
      %convert_element_type3A_130 = arith.extui %and3A_129 : i1 to i32
      %cond3A_131 = arith.constant 0 : i32
      %cond3A_132 = arith.cmpi ne, %convert_element_type3A_130, %cond3A_131 : i32
      scf.if %cond3A_132 {
        %sub3A_146 = arith.constant 1 : i32
        %sub3A_147 = arith.subi %add3A_120, %sub3A_146 : i32
        %mul3A_148 = arith.constant 32 : i32
        %mul3A_149 = arith.muli %sub3A_147, %mul3A_148 : i32
        %add3A_150 = arith.addi %mul3A_2, %mul3A_149 : i32
        %dma_wait3A_151 = arith.constant 0 : i32
        %dma_wait3A_152 = tpu.memref_slice %arg4[%add3A_150, %dma_wait3A_151] : memref<32768x1024xf32, #tpu.memory_space<hbm>> -> memref<32x1024xf32, #tpu.memory_space<hbm>>
        %dma_wait3A_153 = arith.constant 0 : i32
        %dma_wait3A_154 = tpu.memref_slice %arg4[%add3A_150, %dma_wait3A_153] : memref<32768x1024xf32, #tpu.memory_space<hbm>> -> memref<32x1024xf32, #tpu.memory_space<hbm>>
        tpu.wait_dma2 semaphore(%arg13 : memref<!tpu.dma_semaphore, #tpu.memory_space<semaphore_mem>>) src(%arg7 : memref<32x1024xf32, #tpu.memory_space<vmem>>) dst(%dma_wait3A_154 : memref<32x1024xf32, #tpu.memory_space<hbm>>)
        %sub3A_155 = arith.constant 1 : i32
        %sub3A_156 = arith.subi %add3A_120, %sub3A_155 : i32
        %add3A_157 = arith.constant 3 : i32
        %add3A_158 = arith.addi %sub3A_156, %add3A_157 : i32
        %mul3A_159 = arith.constant 32 : i32
        %mul3A_160 = arith.muli %add3A_158, %mul3A_159 : i32
        %dma_start3A_161 = tpu.memref_slice %arg5[%mul3A_160] : memref<1024xi32, #tpu.memory_space<vmem>> -> memref<32xi32, #tpu.memory_space<vmem>>
        %dma_start3A_162 = arith.constant 0 : i32
        %dma_start3A_163 = arith.constant 0 : i32
        %dma_start3A_164 = tpu.memref_slice %arg3[%dma_start3A_162, %dma_start3A_163] : memref<8192x1024xf32, #tpu.memory_space<hbm>> -> memref<8192x1024xf32, #tpu.memory_space<hbm>>
        tpu.enqueue_indirect_dma source(%dma_start3A_164 : memref<8192x1024xf32, #tpu.memory_space<hbm>>) target(%arg7 : memref<32x1024xf32, #tpu.memory_space<vmem>>) offsets(%dma_start3A_161 : memref<32xi32, #tpu.memory_space<vmem>>) semaphore(%arg10 : memref<!tpu.dma_semaphore, #tpu.memory_space<semaphore_mem>>)
      } else {
      }
      %mul3A_133 = arith.constant 32 : i32
      %mul3A_134 = arith.muli %add3A_120, %mul3A_133 : i32
      %dma_wait3A_135 = tpu.memref_slice %arg5[%mul3A_134] : memref<1024xi32, #tpu.memory_space<vmem>> -> memref<32xi32, #tpu.memory_space<vmem>>
      %dma_wait3A_136 = arith.constant 0 : i32
      %dma_wait3A_137 = arith.constant 0 : i32
      %dma_wait3A_138 = tpu.memref_slice %arg3[%dma_wait3A_136, %dma_wait3A_137] : memref<8192x1024xf32, #tpu.memory_space<hbm>> -> memref<8192x1024xf32, #tpu.memory_space<hbm>>
      tpu.wait_indirect_dma semaphore(%arg11 : memref<!tpu.dma_semaphore, #tpu.memory_space<semaphore_mem>>) src(%dma_wait3A_138 : memref<8192x1024xf32, #tpu.memory_space<hbm>>) dst(%arg8 : memref<32x1024xf32, #tpu.memory_space<vmem>>)
      %mul3A_139 = arith.constant 32 : i32
      %mul3A_140 = arith.muli %add3A_120, %mul3A_139 : i32
      %add3A_141 = arith.addi %mul3A_2, %mul3A_140 : i32
      %dma_start3A_142 = arith.constant 0 : i32
      %dma_start3A_143 = tpu.memref_slice %arg4[%add3A_141, %dma_start3A_142] : memref<32768x1024xf32, #tpu.memory_space<hbm>> -> memref<32x1024xf32, #tpu.memory_space<hbm>>
      %dma_start3A_144 = arith.constant 0 : i32
      %dma_start3A_145 = tpu.memref_slice %arg4[%add3A_141, %dma_start3A_144] : memref<32768x1024xf32, #tpu.memory_space<hbm>> -> memref<32x1024xf32, #tpu.memory_space<hbm>>
      tpu.enqueue_dma source(%arg8 : memref<32x1024xf32, #tpu.memory_space<vmem>>) target(%dma_start3A_145 : memref<32x1024xf32, #tpu.memory_space<hbm>>) target_semaphore(%arg14 : memref<!tpu.dma_semaphore, #tpu.memory_space<semaphore_mem>>)
    }
    %scan3A_20 = arith.constant 10 : i32
    %dma_wait3A = arith.constant 960 : i32
    %dma_wait3A_21 = tpu.memref_slice %arg5[%dma_wait3A] : memref<1024xi32, #tpu.memory_space<vmem>> -> memref<32xi32, #tpu.memory_space<vmem>>
    %dma_wait3A_22 = arith.constant 0 : i32
    %dma_wait3A_23 = arith.constant 0 : i32
    %dma_wait3A_24 = tpu.memref_slice %arg3[%dma_wait3A_22, %dma_wait3A_23] : memref<8192x1024xf32, #tpu.memory_space<hbm>> -> memref<8192x1024xf32, #tpu.memory_space<hbm>>
    tpu.wait_indirect_dma semaphore(%arg9 : memref<!tpu.dma_semaphore, #tpu.memory_space<semaphore_mem>>) src(%dma_wait3A_24 : memref<8192x1024xf32, #tpu.memory_space<hbm>>) dst(%arg6 : memref<32x1024xf32, #tpu.memory_space<vmem>>)
    %add3A_25 = arith.constant 960 : i32
    %add3A_26 = arith.addi %mul3A_2, %add3A_25 : i32
    %dma_start3A_27 = arith.constant 0 : i32
    %dma_start3A_28 = tpu.memref_slice %arg4[%add3A_26, %dma_start3A_27] : memref<32768x1024xf32, #tpu.memory_space<hbm>> -> memref<32x1024xf32, #tpu.memory_space<hbm>>
    %dma_start3A_29 = arith.constant 0 : i32
    %dma_start3A_30 = tpu.memref_slice %arg4[%add3A_26, %dma_start3A_29] : memref<32768x1024xf32, #tpu.memory_space<hbm>> -> memref<32x1024xf32, #tpu.memory_space<hbm>>
    tpu.enqueue_dma source(%arg6 : memref<32x1024xf32, #tpu.memory_space<vmem>>) target(%dma_start3A_30 : memref<32x1024xf32, #tpu.memory_space<hbm>>) target_semaphore(%arg12 : memref<!tpu.dma_semaphore, #tpu.memory_space<semaphore_mem>>)
    %dma_wait3A_31 = arith.constant 992 : i32
    %dma_wait3A_32 = tpu.memref_slice %arg5[%dma_wait3A_31] : memref<1024xi32, #tpu.memory_space<vmem>> -> memref<32xi32, #tpu.memory_space<vmem>>
    %dma_wait3A_33 = arith.constant 0 : i32
    %dma_wait3A_34 = arith.constant 0 : i32
    %dma_wait3A_35 = tpu.memref_slice %arg3[%dma_wait3A_33, %dma_wait3A_34] : memref<8192x1024xf32, #tpu.memory_space<hbm>> -> memref<8192x1024xf32, #tpu.memory_space<hbm>>
    tpu.wait_indirect_dma semaphore(%arg10 : memref<!tpu.dma_semaphore, #tpu.memory_space<semaphore_mem>>) src(%dma_wait3A_35 : memref<8192x1024xf32, #tpu.memory_space<hbm>>) dst(%arg7 : memref<32x1024xf32, #tpu.memory_space<vmem>>)
    %add3A_36 = arith.constant 992 : i32
    %add3A_37 = arith.addi %mul3A_2, %add3A_36 : i32
    %dma_start3A_38 = arith.constant 0 : i32
    %dma_start3A_39 = tpu.memref_slice %arg4[%add3A_37, %dma_start3A_38] : memref<32768x1024xf32, #tpu.memory_space<hbm>> -> memref<32x1024xf32, #tpu.memory_space<hbm>>
    %dma_start3A_40 = arith.constant 0 : i32
    %dma_start3A_41 = tpu.memref_slice %arg4[%add3A_37, %dma_start3A_40] : memref<32768x1024xf32, #tpu.memory_space<hbm>> -> memref<32x1024xf32, #tpu.memory_space<hbm>>
    tpu.enqueue_dma source(%arg7 : memref<32x1024xf32, #tpu.memory_space<vmem>>) target(%dma_start3A_41 : memref<32x1024xf32, #tpu.memory_space<hbm>>) target_semaphore(%arg13 : memref<!tpu.dma_semaphore, #tpu.memory_space<semaphore_mem>>)
    %add3A_42 = arith.constant 928 : i32
    %add3A_43 = arith.addi %mul3A_2, %add3A_42 : i32
    %dma_wait3A_44 = arith.constant 0 : i32
    %dma_wait3A_45 = tpu.memref_slice %arg4[%add3A_43, %dma_wait3A_44] : memref<32768x1024xf32, #tpu.memory_space<hbm>> -> memref<32x1024xf32, #tpu.memory_space<hbm>>
    %dma_wait3A_46 = arith.constant 0 : i32
    %dma_wait3A_47 = tpu.memref_slice %arg4[%add3A_43, %dma_wait3A_46] : memref<32768x1024xf32, #tpu.memory_space<hbm>> -> memref<32x1024xf32, #tpu.memory_space<hbm>>
    tpu.wait_dma2 semaphore(%arg14 : memref<!tpu.dma_semaphore, #tpu.memory_space<semaphore_mem>>) src(%arg8 : memref<32x1024xf32, #tpu.memory_space<vmem>>) dst(%dma_wait3A_47 : memref<32x1024xf32, #tpu.memory_space<hbm>>)
    %add3A_48 = arith.constant 960 : i32
    %add3A_49 = arith.addi %mul3A_2, %add3A_48 : i32
    %dma_wait3A_50 = arith.constant 0 : i32
    %dma_wait3A_51 = tpu.memref_slice %arg4[%add3A_49, %dma_wait3A_50] : memref<32768x1024xf32, #tpu.memory_space<hbm>> -> memref<32x1024xf32, #tpu.memory_space<hbm>>
    %dma_wait3A_52 = arith.constant 0 : i32
    %dma_wait3A_53 = tpu.memref_slice %arg4[%add3A_49, %dma_wait3A_52] : memref<32768x1024xf32, #tpu.memory_space<hbm>> -> memref<32x1024xf32, #tpu.memory_space<hbm>>
    tpu.wait_dma2 semaphore(%arg12 : memref<!tpu.dma_semaphore, #tpu.memory_space<semaphore_mem>>) src(%arg6 : memref<32x1024xf32, #tpu.memory_space<vmem>>) dst(%dma_wait3A_53 : memref<32x1024xf32, #tpu.memory_space<hbm>>)
    %add3A_54 = arith.constant 992 : i32
    %add3A_55 = arith.addi %mul3A_2, %add3A_54 : i32
    %dma_wait3A_56 = arith.constant 0 : i32
    %dma_wait3A_57 = tpu.memref_slice %arg4[%add3A_55, %dma_wait3A_56] : memref<32768x1024xf32, #tpu.memory_space<hbm>> -> memref<32x1024xf32, #tpu.memory_space<hbm>>
    %dma_wait3A_58 = arith.constant 0 : i32
    %dma_wait3A_59 = tpu.memref_slice %arg4[%add3A_55, %dma_wait3A_58] : memref<32768x1024xf32, #tpu.memory_space<hbm>> -> memref<32x1024xf32, #tpu.memory_space<hbm>>
    tpu.wait_dma2 semaphore(%arg13 : memref<!tpu.dma_semaphore, #tpu.memory_space<semaphore_mem>>) src(%arg7 : memref<32x1024xf32, #tpu.memory_space<vmem>>) dst(%dma_wait3A_59 : memref<32x1024xf32, #tpu.memory_space<hbm>>)
    return
  }
}

</mosaic_0001>

<sc_bundles>
// kernel: kernel.3.cloned.1.call-start
scs
__scs_entry_jumppad:
0x0: {  	(pc) =	sbr.rel $0x88, $3  }
0x1: {  	(tag) =	ssettag $0x0;
	lr =	simm.s32 $0x1  }
0x2: {  	[smem:$0x3F9F] =	sst lr;
	_ =	strace $0xD0000000  }
0x3: {  	_ = 	snop  }
0x4: {  	_ = 	snop  }
0x5: {  	_ = 	snop  }
0x6: {  	_ = 	snop  }
0x7: {  	_ = 	snop  }
__scs_overlays_trampoline_lowered:
0x8: {  	[smem:$0x3FAE] =	sst s0  }
0x9: {  	[smem:$0x3FAF] =	sst s1  }
0xa: {  	[smem:$0x3FB0] =	sst s2  }
0xb: {  	[smem:$0x3FB1] =	sst s3  }
0xc: {  	[smem:$0x3FB2] =	sst s4  }
0xd: {  	[smem:$0x3FB3] =	sst s5  }
0xe: {  	[smem:$0x3FB4] =	sst s6  }
0xf: {  	[smem:$0x3FB5] =	sst s7  }
0x10: {  	[smem:$0x3FB6] =	sst s8  }
0x11: {  	[smem:$0x3FB7] =	sst s9;
	s0 =	simm.s32 @!p0 $0x0  }
0x12: {  	s1 =	sld [smem:$0x3F9D];
	s0 =	simm.s32 @p0 $0x1  }
0x13: {  	[smem:$0x3FB8] =	sst s0;
	s0 =	simm.s32 @!p1 $0x0  }
0x14: {  	s2 =	sld [smem:$0x3F9C];
	s0 =	simm.s32 @p1 $0x1  }
0x15: {  	[smem:$0x3FB9] =	sst s0;
	s0 =	simm.s32 @!p2 $0x0  }
0x16: {  	s3 =	sld [smem:$0x3FDB];
	s0 =	simm.s32 @p2 $0x1  }
0x17: {  	s4 =	simm.s32 $0x1BF5;
	[smem:$0x3FBB] =	sst s0  }
0x18: {  	s0 =	sld [smem:$0x3F9E];
	_ =	swait.ge [sflag:s4], $0x0  }
0x19: {  	s7 =	sld [smem:$0x3F9F]  }
0x1a: {  	s8 =	sadd.s32 $0xFFFFE003, lr  }
0x1b: {  	s9 =	sadd.s32 $0xFFFFFEF7, lr;
	s5 =	simm.s32 $0xFFFFFFFF;
	p2 =	slt.u32 s8, $0xFFFFF086  }
0x1c: {  	p1 =	slt.u32 s9, $0xF7A;
	s5 =	simm.s32 @!p2 $0x0  }
0x1d: {  	s5 =	simm.s32 @p1 $0x1;
	p0 =	seq.s32 s7, s2  }
0x1e: {  	s7 =	smul.u32 @!p0 $0xF7A, s2;
	p2 =	seq.s32 @!p0 s5, $0x0  }
0x1f: {  	s9 =	smul.u32 $0xF7A, s1;
	s8 =	simm.s32 @!p0 $0x1BF5;
	p2 =	por !p2, p0  }
0x20: {  	[sflag:s8] =	ssyncset.s32 @!p0 $0xFFFFF086;
	s6 =	sadd.s32 @!p0 s3, s7;
	s7 =	simm.s32 @!p0 $0x108  }
0x21: {  	s3 =	sadd.s32 s3, s9;
	s6 =	sadd.s32 @!p0 $0x88, s6;
	s7 =	simm.s32 @p2 $0x1082  }
0x22: {  	[simem:s7], [sflag:s8] =	dma.local @!p0 [hbm:s6], $0xF7A  }
0x23: {  	s9 =	sor.u32 $0xD0000000, s2;
	s6 =	simm.s32 $0x108;
	_ =	swait.ge @!p0 [sflag:s8], $0x0  }
0x24: {  	s3 =	sadd.s32 $0x88, s3;
	s6 =	simm.s32 @!p1 $0x1082;
	[sflag:s4] =	ssyncset.s32 $0xFFFFF086  }
0x25: {  	[simem:s6], [sflag:s4] =	dma.local [hbm:s3], $0xF7A  }
0x26: {  	[smem:$0x3F9F] =	sst s1;
	(tag) =	ssettag s2;
	_ =	strace s9  }
0x27: {  	s1 =	sld [smem:$0x3FAF]  }
0x28: {  	s2 =	sld [smem:$0x3FB0]  }
0x29: {  	s4 =	sld [smem:$0x3FB2]  }
0x2a: {  	p0 =	seq.s32 s5, $0x0;
	s5 =	sld [smem:$0x3FB3]  }
0x2b: {  	s6 =	sld [smem:$0x3FB4]  }
0x2c: {  	s7 =	sld [smem:$0x3FB5]  }
0x2d: {  	s3 =	simm.s32 $0x108;
	s8 =	sld [smem:$0x3FB6]  }
0x2e: {  	s3 =	simm.s32 @!p0 $0x1082;
	s9 =	sld [smem:$0x3FB7]  }
0x2f: {  	lr =	sadd.s32 s0, s3;
	s0 =	sld [smem:$0x3FAE]  }
0x30: {  	s3 =	sld [smem:$0x3FB1]  }
0x31: {  	[smem:$0x3FBA] =	sst s10  }
0x32: {  	s10 =	sld [smem:$0x3FB8];
	_ =	sdelay $0x3  }
0x33: {  	p0 =	seq.s32 s10, $0x1;
	s10 =	sld [smem:$0x3FBA];
	_ =	sdelay $0x3  }
0x34: {  	[smem:$0x3FBA] =	sst s10  }
0x35: {  	s10 =	sld [smem:$0x3FB9];
	_ =	sdelay $0x3  }
0x36: {  	p1 =	seq.s32 s10, $0x1;
	s10 =	sld [smem:$0x3FBA];
	_ =	sdelay $0x3  }
0x37: {  	[smem:$0x3FBA] =	sst s10  }
0x38: {  	s10 =	sld [smem:$0x3FBB]  }
0x39: {  	_ = 	snop;
	(pc) =	sbr.ind lr, $3  }
0x3a: {  	_ = 	snop  }
0x3b: {  	_ = 	snop  }
0x3c: {  	p2 =	seq.s32 s10, $0x1;
	s10 =	sld [smem:$0x3FBA]  }
0x3d: {  	_ =	shalt  }
0x3e: {  	_ =	shalt  }
0x3f: {  	_ =	shalt  }
0x40: {  	_ =	shalt  }
0x41: {  	_ =	shalt  }
0x42: {  	_ =	shalt  }
0x43: {  	_ =	shalt  }
0x44: {  	_ =	shalt  }
0x45: {  	_ =	shalt  }
0x46: {  	_ =	shalt  }
0x47: {  	_ =	shalt  }
0x48: {  	_ =	shalt  }
0x49: {  	_ =	shalt  }
0x4a: {  	_ =	shalt  }
0x4b: {  	_ =	shalt  }
0x4c: {  	_ =	shalt  }
0x4d: {  	_ =	shalt  }
0x4e: {  	_ =	shalt  }
0x4f: {  	_ =	shalt  }
0x50: {  	_ =	shalt  }
0x51: {  	_ =	shalt  }
0x52: {  	_ =	shalt  }
0x53: {  	_ =	shalt  }
0x54: {  	_ =	shalt  }
0x55: {  	_ =	shalt  }
0x56: {  	_ =	shalt  }
0x57: {  	_ =	shalt  }
0x58: {  	_ =	shalt  }
0x59: {  	_ =	shalt  }
0x5a: {  	_ =	shalt  }
0x5b: {  	_ =	shalt  }
0x5c: {  	_ =	shalt  }
0x5d: {  	_ =	shalt  }
0x5e: {  	_ =	shalt  }
0x5f: {  	_ =	shalt  }
0x60: {  	_ =	shalt  }
0x61: {  	_ =	shalt  }
0x62: {  	_ =	shalt  }
0x63: {  	_ =	shalt  }
0x64: {  	_ =	shalt  }
0x65: {  	_ =	shalt  }
0x66: {  	_ =	shalt  }
0x67: {  	_ =	shalt  }
0x68: {  	_ =	shalt  }
0x69: {  	_ =	shalt  }
0x6a: {  	_ =	shalt  }
0x6b: {  	_ =	shalt  }
0x6c: {  	_ =	shalt  }
0x6d: {  	_ =	shalt  }
0x6e: {  	_ =	shalt  }
0x6f: {  	_ =	shalt  }
0x70: {  	_ =	shalt  }
0x71: {  	_ =	shalt  }
0x72: {  	_ =	shalt  }
0x73: {  	_ =	shalt  }
0x74: {  	_ =	shalt  }
0x75: {  	_ =	shalt  }
0x76: {  	_ =	shalt  }
0x77: {  	_ =	shalt  }
0x78: {  	_ =	shalt  }
0x79: {  	_ =	shalt  }
0x7a: {  	_ =	shalt  }
0x7b: {  	_ =	shalt  }
0x7c: {  	_ =	shalt  }
0x7d: {  	_ =	shalt  }
0x7e: {  	_ =	shalt  }
0x7f: {  	_ =	shalt  }
0x80: {  	_ =	shalt  }
0x81: {  	_ =	shalt  }
0x82: {  	_ =	shalt  }
0x83: {  	_ =	shalt  }
0x84: {  	_ =	shalt  }
0x85: {  	_ =	shalt  }
0x86: {  	_ =	shalt  }
0x87: {  	_ =	shalt  }
.Lfunc_end0:
.L_simem_size_0:
called_computation_lowered:
.L_overlay_start_0:
0x88: {  	s2 =	sld [smem:$0x3FD9]  }
0x89: {  	s3 =	sld [smem:$0x3FFE];
	_ =	sdelay $0x1  }
0x8a: {  	s1 =	srdreg.scid  }
0x8b: {  	s0 =	sand.u32 $0x1, s1  }
0x8c: {  	s17 =	sshll.u32 s0, $0xA;
	s2 =	sadd.s32 s3, s2  }
0x8d: {  	s2 =	sadd.s32 s2, s17  }
0x8e: {  	[smem:$0x3FC6] =	sst s2  }
0x8f: {  	_ = 	snop  }
0x90: {  	s2 =	sld [smem:$0x3FC8]  }
0x91: {  	s18 =	sld [smem:$0x3FD0];
	(tm) =	ssettm $0x1  }
0x92: {  	s4 =	sld [smem:$0x3FFB];
	_ =	sdelay $0x3  }
0x93: {  	_ =	strace s4  }
0x94: {  	s4 =	sld [smem:$0x3FFC];
	_ =	sdelay $0x3  }
0x95: {  	_ =	strace s4  }
0x96: {  	s4 =	sld [smem:$0x3FFD];
	_ =	sdelay $0x3  }
0x97: {  	_ =	strace s4  }
0x98: {  	_ =	strace $0x8FFFFFFF  }
0x99: {  	s19 =	sld [smem:$0x3FDB];
	_ =	sdelay $0x1  }
0x9a: {  	s5 =	simm.s32 $_scs_section_size  }
0x9b: {  	s6 =	simm.s32 $_size__tile_overlayer_lowered;
	s7 =	simm.s32 $_tile_overlayer_lowered  }
0x9c: {  	s22 =	simm.s32 $0x1BFF;
	s21 =	sshll.u32 s7, $0x1;
	s4 =	sadd.s32 s5, s19  }
0x9d: {  	s8 =	simm.s32 $0x0;
	s20 =	sshll.u32 s6, $0x1;
	s6 =	sadd.s32 s21, s4  }
0x9e: {  	[timem:s8], [sflag:s22] =	dma.local [hbm:s6], s20  }
0x9f: {  	_ =	swait.ge [sflag:s22], s20  }
0xa0: {  	s5 =	ssub.s32 $0x0, s20;
	[sflag:s22] =	ssyncset.done $0x0  }
0xa1: {  	[sflag:s22] =	ssyncadd.s32 s5;
	_ =	sdelay $0x1  }
0xa2: {  	s23 =	simm.s32 $0x1B8B  }
0xa3: {  	_ =	swait.ge [sflag:s23], $0x1  }
0xa4: {  	[sflag:s23] =	ssyncset.done $0x0  }
0xa5: {  	s25 =	simm.s32 $0x1B8E;
	s24 =	sld [smem:$0x3FFE];
	[sflag:s23] =	ssyncadd.s32 $0xFFFFFFFF  }
0xa6: {  	s26 =	simm.s32 $execute0_lowered;
	[smem:$0x3FD2] =	sst s25  }
0xa7: {  	s6 =	sshll.u32 s26, $0x1;
	_ =	strace $0x80000046;
	[dreg:$0x1] =	wrdreg $0xFFFFFFFF  }
0xa8: {  	s28 =	simm.s32 $_size_execute0_lowered;
	s4 =	sadd.s32 s4, s6;
	[dreg:$0x0] =	wrdreg $0x0  }
0xa9: {  	s6 =	sshll.u32 s28, $0x1;
	[dreg:$0x2] =	wrdreg s4  }
0xaa: {  	[dreg:$0x3] =	wrdreg s6  }
0xab: {  	[dreg:$0x4] =	wrdreg $0xC0  }
0xac: {  	_ =	task [dreg:s8], $0x5FFFF  }
0xad: {  	[dreg:$0x1] =	wrdreg $0xFFFFFFFF  }
0xae: {  	[dreg:$0x0] =	wrdreg $0x60  }
0xaf: {  	[dreg:$0x2] =	wrdreg s24  }
0xb0: {  	[dreg:$0x3] =	wrdreg s2  }
0xb1: {  	[dreg:$0x4] =	wrdreg s18  }
0xb2: {  	[dreg:$0x5] =	wrdreg $0x9  }
0xb3: {  	_ =	task.clear_ibuf [dreg:s8], $0x6FFFF;
	_ =	strace $0x90000046  }
0xb4: {  	s29 =	simm.s32 $0x9;
	_ =	strace $0x80000048  }
0xb5: {  	_ =	swait.ge [sflag:s29], $0x1  }
0xb6: {  	[sflag:s29] =	ssyncadd.s32 $0xFFFFFFFF  }
0xb7: {  	_ =	strace $0x90000048  }
0xb8: {  	_ =	sfence  }
0xb9: {  	s30 =	sld [smem:$0x0];
	_ =	sdelay $0x2  }
0xba: {  	s31 =	sshll.u32 s1, $0xD;
	s1 =	sshrl.u32 s1, $0x2  }
0xbb: {  	s3 =	sand.u32 $0x4000, s31;
	s1 =	sadd.s32 s1, s30  }
0xbc: {  	s0 =	sor.u32 s3, s0;
	s1 =	sshll.u32 s1, $0x11  }
0xbd: {  	s0 =	sor.u32 s1, s0  }
0xbe: {  	s0 =	sadd.s32 $0x8F2B, s0  }
0xbf: {  	[sflag:s0] =	ssyncadd.remote.s32 $0x1  }
0xc0: {  	_ =	sfence.sel $0xFFFF  }
0xc1: {  	[dreg:$0x0] =	wrdreg $0xFFFFFFFF;
	(pc) =	sbr.abs _section_cstart, $3  }
0xc2: {  	[dreg:$0x1] =	wrdreg $0xFFFFFFFF  }
0xc3: {  	_ =	task.clear_ibuf [dreg:s8], $0x2FFFF;
	_ =	strace $0x9FFFFFFF  }
0xc4: {  	(tm) =	ssettm $0x7FFFFFFF  }
0xc5: {  	_ =	shalt  }
tec
execute0_lowered:
.L_overlay_start_1:
0x0: {  	(tag) =	ssettag $0x1  }
0x1: {  	s0 =	rddreg [dreg:$0x0]  }
0x2: {  	s1 =	srdreg.scid;
	s2 =	rddreg [dreg:$0x1]  }
0x3: {  	s9 =	stileid.u32;
	s4 =	rddreg [dreg:$0x2]  }
0x4: {  	s31 =	simm.s32 $0x400;
	s11 =	simm.s32 $0x4400;
	s13 =	simm.s32 $0x4C00  }
0x5: {  	s14 =	simm.s32 $0x5400;
	s15 =	simm.s32 $0x5C00;
	s16 =	simm.s32 $0x6400  }
0x6: {  	s17 =	simm.s32 $0x6C00;
	s18 =	simm.s32 $0x7400;
	s19 =	simm.s32 $0x7C00  }
0x7: {  	s29 =	simm.s32 $0x8400;
	s30 =	simm.s32 $0x8C00;
	s12 =	simm.s32 $0x9400  }
0x8: {  	s28 =	simm.s32 $0x9C00;
	s20 =	simm.s32 $0x1;
	s21 =	simm.s32 $0x4  }
0x9: {  	s22 =	simm.s32 $0x2;
	s1 =	sand.u32 $0x1, s1;
	s3 =	sshll.u32 s9, $0xB  }
0xa: {  	s9 =	sshll.u32 s9, $0x12;
	s5 =	sshll.u32 s1, $0xA;
	s6 =	ssub.s32 $0x2, s1  }
0xb: {  	s1 =	sshll.u32 s1, $0x11;
	s7 =	sor.u32 s5, s3;
	s3 =	simm.s32 $0x0  }
0xc: {  	s23 =	sshrl.u32 s6, $0x1;
	s5 =	sshrl.u32 s7, $0x3;
	[smem:$0x7FF] =	sst s3  }
0xd: {  	s8 =	ssub.s32 s6, s23;
	s6 =	sadd.s32 $0x200, s2;
	s24 =	sshll.u32 s7, $0x7  }
0xe: {  	s7 =	sadd.s32 $0x300, s2;
	s23 =	simm.s32 $0x5;
	s0 =	sadd.s32 s5, s0  }
0xf: {  	_ =	strace $0x80000047;
	s5 =	sadd.s32 $0x100, s2;
	s25 =	smax.u32 s8, $0x1  }
0x10: {  	s8 =	simm.s32 $0x2C00;
	s0 =	sadd.s32 $0x400, s0;
	[dreg:$0x8] =	wrdreg s25  }
0x11: {  	s25 =	simm.s32 $0x0;
	[dreg:$0x5] =	wrdreg s0;
	s0 =	sadd.s32 s24, s4  }
0x12: {  	s4 =	sadd.s32 s9, s4;
	[dreg:$0x9] =	wrdreg s25;
	s10 =	sadd.s32 $0x1E000, s0  }
0x13: {  	s9 =	simm.s32 $0x3400;
	s0 =	sadd.s32 $0x1F000, s0;
	[dreg:$0x6] =	wrdreg s10  }
0x14: {  	v2 =	vlaneseq.u32;
	s24 =	simm.s32 $0x3;
	s26 =	sadd.s32 s1, s4;
	[dreg:$0x7] =	wrdreg s0  }
0x15: {  	vm0 =	vmmov $0xffff;
	v1 =	vshrl.u32 v2, $0x3;
	s1 =	simm.s32 $0x1400;
	s4 =	simm.s32 $0x2400;
	[dreg:$0x4] =	wrdreg s26  }
0x16: {  	v0 =	vand.u32 $0x7, v2;
	v2 =	vor.u32 $0x8, v2;
	v1 =	vmul.u32 $0x8, v1;
	s26 =	simm.s32 $0xC00;
	s0 =	simm.s32 $0x1C00;
	s10 =	simm.s32 $0x3C00  }
.LBB2_1:
0x17: {  	s25 =	rddreg [dreg:$0x5]  }
0x18: {  	[tilespmem:s3], [sflag:$0x7] =	stream.linear.gather [hbm4b:s25+s3], $0x400, $0x38;
	[tilespmem:$0x18400] =	vst v63  }
0x19: {  	s25 =	simm.s32 $0x7  }
0x1a: {  	_ =	swait.ge [sflag:s25], $0x400  }
0x1b: {  	[sflag:s25] =	ssyncset.done $0x0  }
0x1c: {  	[sflag:s25] =	ssyncadd.s32 $0xFFFFFC00  }
0x1d: {  	v3 =	vld [tilespmem:$0x0];
	_ =	sdelay $0x4  }
0x1e: {  	v4 =	vshll.u32 v3, $0x3  }
0x1f: {  	v3 =	vand.u32 $0x7, v3;
	v4 =	vand.u32 $0xFFFFFFC0, v4  }
0x20: {  	v3 =	vor.u32 v3, v4  }
0x21: {  	v4 =	vperm.xlane v3, v0;
	_ =	sdelay $0x1  }
0x22: {  	v4 =	vadd.s32 v1, v4;
	_ =	sdelay $0x4  }
0x23: {  	[tilespmem:s31], [sflag:$0x1] =	stream.indirect_vreg.gather [hbm4b:s2+s3], $0x80, v4, vm0, $0xb8;
	[tilespmem:$0x18400] =	vst v63  }
0x24: {  	v3 =	vperm.xlane v3, v2  }
0x25: {  	[tilespmem:s26], [sflag:$0x1] =	stream.indirect_vreg.gather [hbm4b:s5+s3], $0x80, v4, vm0, $0xb8;
	[tilespmem:$0x18400] =	vst v63  }
0x26: {  	v3 =	vadd.s32 v1, v3  }
0x27: {  	[tilespmem:s1], [sflag:$0x1] =	stream.indirect_vreg.gather [hbm4b:s6+s3], $0x80, v4, vm0, $0xb8;
	[tilespmem:$0x18400] =	vst v63  }
0x28: {  	_ = 	snop  }
0x29: {  	[tilespmem:s0], [sflag:$0x1] =	stream.indirect_vreg.gather [hbm4b:s7+s3], $0x80, v4, vm0, $0xb8;
	[tilespmem:$0x18400] =	vst v63  }
0x2a: {  	_ = 	snop  }
0x2b: {  	[tilespmem:s4], [sflag:$0x1] =	stream.indirect_vreg.gather [hbm4b:s2+s3], $0x80, v3, vm0, $0xb8;
	[tilespmem:$0x18400] =	vst v63  }
0x2c: {  	_ = 	snop  }
0x2d: {  	[tilespmem:s8], [sflag:$0x1] =	stream.indirect_vreg.gather [hbm4b:s5+s3], $0x80, v3, vm0, $0xb8;
	[tilespmem:$0x18400] =	vst v63  }
0x2e: {  	_ = 	snop  }
0x2f: {  	[tilespmem:s9], [sflag:$0x1] =	stream.indirect_vreg.gather [hbm4b:s6+s3], $0x80, v3, vm0, $0xb8;
	[tilespmem:$0x18400] =	vst v63  }
0x30: {  	_ = 	snop  }
0x31: {  	[tilespmem:s10], [sflag:$0x1] =	stream.indirect_vreg.gather [hbm4b:s7+s3], $0x80, v3, vm0, $0xb8;
	[tilespmem:$0x18400] =	vst v63  }
0x32: {  	v3 =	vld [tilespmem:$0x10];
	_ =	sdelay $0x4  }
0x33: {  	v59 =	vshll.u32 v3, $0x3  }
0x34: {  	v3 =	vand.u32 $0x7, v3;
	v4 =	vand.u32 $0xFFFFFFC0, v59  }
0x35: {  	v3 =	vor.u32 v3, v4  }
0x36: {  	v4 =	vperm.xlane v3, v0;
	_ =	sdelay $0x1  }
0x37: {  	v4 =	vadd.s32 v1, v4;
	_ =	sdelay $0x4  }
0x38: {  	[tilespmem:s11], [sflag:$0x1] =	stream.indirect_vreg.gather [hbm4b:s2+s3], $0x80, v4, vm0, $0xb8;
	[tilespmem:$0x18400] =	vst v63  }
0x39: {  	v3 =	vperm.xlane v3, v2  }
0x3a: {  	[tilespmem:s13], [sflag:$0x1] =	stream.indirect_vreg.gather [hbm4b:s5+s3], $0x80, v4, vm0, $0xb8;
	[tilespmem:$0x18400] =	vst v63  }
0x3b: {  	v3 =	vadd.s32 v1, v3  }
0x3c: {  	[tilespmem:s14], [sflag:$0x1] =	stream.indirect_vreg.gather [hbm4b:s6+s3], $0x80, v4, vm0, $0xb8;
	[tilespmem:$0x18400] =	vst v63  }
0x3d: {  	_ = 	snop  }
0x3e: {  	[tilespmem:s15], [sflag:$0x1] =	stream.indirect_vreg.gather [hbm4b:s7+s3], $0x80, v4, vm0, $0xb8;
	[tilespmem:$0x18400] =	vst v63  }
0x3f: {  	_ = 	snop  }
0x40: {  	[tilespmem:s16], [sflag:$0x1] =	stream.indirect_vreg.gather [hbm4b:s2+s3], $0x80, v3, vm0, $0xb8;
	[tilespmem:$0x18400] =	vst v63  }
0x41: {  	_ = 	snop  }
0x42: {  	[tilespmem:s17], [sflag:$0x1] =	stream.indirect_vreg.gather [hbm4b:s5+s3], $0x80, v3, vm0, $0xb8;
	[tilespmem:$0x18400] =	vst v63  }
0x43: {  	_ = 	snop  }
0x44: {  	[tilespmem:s18], [sflag:$0x1] =	stream.indirect_vreg.gather [hbm4b:s6+s3], $0x80, v3, vm0, $0xb8;
	[tilespmem:$0x18400] =	vst v63  }
0x45: {  	_ = 	snop  }
0x46: {  	[tilespmem:s19], [sflag:$0x1] =	stream.indirect_vreg.gather [hbm4b:s7+s3], $0x80, v3, vm0, $0xb8;
	[tilespmem:$0x18400] =	vst v63  }
0x47: {  	v3 =	vld [tilespmem:$0x20];
	_ =	sdelay $0x4  }
0x48: {  	v60 =	vshll.u32 v3, $0x3  }
0x49: {  	v3 =	vand.u32 $0x7, v3;
	v4 =	vand.u32 $0xFFFFFFC0, v60  }
0x4a: {  	v3 =	vor.u32 v3, v4  }
0x4b: {  	v4 =	vperm.xlane v3, v0;
	_ =	sdelay $0x1  }
0x4c: {  	v4 =	vadd.s32 v1, v4;
	_ =	sdelay $0x4  }
0x4d: {  	[tilespmem:s29], [sflag:$0x2] =	stream.indirect_vreg.gather [hbm4b:s2+s3], $0x80, v4, vm0, $0xb8;
	[tilespmem:$0x18400] =	vst v63  }
0x4e: {  	v3 =	vperm.xlane v3, v2  }
0x4f: {  	[tilespmem:s30], [sflag:$0x2] =	stream.indirect_vreg.gather [hbm4b:s5+s3], $0x80, v4, vm0, $0xb8;
	[tilespmem:$0x18400] =	vst v63  }
0x50: {  	v3 =	vadd.s32 v1, v3  }
0x51: {  	[tilespmem:s12], [sflag:$0x2] =	stream.indirect_vreg.gather [hbm4b:s6+s3], $0x80, v4, vm0, $0xb8;
	[tilespmem:$0x18400] =	vst v63  }
0x52: {  	_ = 	snop  }
0x53: {  	[tilespmem:s28], [sflag:$0x2] =	stream.indirect_vreg.gather [hbm4b:s7+s3], $0x80, v4, vm0, $0xb8;
	[tilespmem:$0x18400] =	vst v63  }
0x54: {  	s16 =	simm.s32 $0xA400  }
0x55: {  	[tilespmem:s16], [sflag:$0x2] =	stream.indirect_vreg.gather [hbm4b:s2+s3], $0x80, v3, vm0, $0xb8;
	[tilespmem:$0x18400] =	vst v63  }
0x56: {  	s17 =	simm.s32 $0xAC00  }
0x57: {  	[tilespmem:s17], [sflag:$0x2] =	stream.indirect_vreg.gather [hbm4b:s5+s3], $0x80, v3, vm0, $0xb8;
	[tilespmem:$0x18400] =	vst v63  }
0x58: {  	s18 =	simm.s32 $0xB400  }
0x59: {  	[tilespmem:s18], [sflag:$0x2] =	stream.indirect_vreg.gather [hbm4b:s6+s3], $0x80, v3, vm0, $0xb8;
	[tilespmem:$0x18400] =	vst v63  }
0x5a: {  	s19 =	simm.s32 $0xBC00  }
0x5b: {  	[tilespmem:s19], [sflag:$0x2] =	stream.indirect_vreg.gather [hbm4b:s7+s3], $0x80, v3, vm0, $0xb8;
	[tilespmem:$0x18400] =	vst v63  }
0x5c: {  	v3 =	vld [tilespmem:$0x30];
	_ =	sdelay $0x4  }
0x5d: {  	v61 =	vshll.u32 v3, $0x3  }
0x5e: {  	v3 =	vand.u32 $0x7, v3;
	v4 =	vand.u32 $0xFFFFFFC0, v61  }
0x5f: {  	v3 =	vor.u32 v3, v4  }
0x60: {  	v4 =	vperm.xlane v3, v0;
	_ =	sdelay $0x1  }
0x61: {  	v4 =	vadd.s32 v1, v4;
	_ =	sdelay $0x3  }
0x62: {  	s25 =	simm.s32 $0xC400  }
0x63: {  	[tilespmem:s25], [sflag:$0x2] =	stream.indirect_vreg.gather [hbm4b:s2+s3], $0x80, v4, vm0, $0xb8;
	[tilespmem:$0x18400] =	vst v63  }
0x64: {  	s26 =	simm.s32 $0xCC00;
	v3 =	vperm.xlane v3, v2  }
0x65: {  	[tilespmem:s26], [sflag:$0x2] =	stream.indirect_vreg.gather [hbm4b:s5+s3], $0x80, v4, vm0, $0xb8;
	[tilespmem:$0x18400] =	vst v63  }
0x66: {  	s28 =	simm.s32 $0xD400;
	v3 =	vadd.s32 v1, v3  }
0x67: {  	[tilespmem:s28], [sflag:$0x2] =	stream.indirect_vreg.gather [hbm4b:s6+s3], $0x80, v4, vm0, $0xb8;
	[tilespmem:$0x18400] =	vst v63  }
0x68: {  	s30 =	simm.s32 $0xDC00  }
0x69: {  	[tilespmem:s30], [sflag:$0x2] =	stream.indirect_vreg.gather [hbm4b:s7+s3], $0x80, v4, vm0, $0xb8;
	[tilespmem:$0x18400] =	vst v63  }
0x6a: {  	s31 =	simm.s32 $0xE400  }
0x6b: {  	[tilespmem:s31], [sflag:$0x2] =	stream.indirect_vreg.gather [hbm4b:s2+s3], $0x80, v3, vm0, $0xb8;
	[tilespmem:$0x18400] =	vst v63  }
0x6c: {  	s1 =	simm.s32 $0xEC00  }
0x6d: {  	[tilespmem:s1], [sflag:$0x2] =	stream.indirect_vreg.gather [hbm4b:s5+s3], $0x80, v3, vm0, $0xb8;
	[tilespmem:$0x18400] =	vst v63  }
0x6e: {  	s4 =	simm.s32 $0xF400  }
0x6f: {  	[tilespmem:s4], [sflag:$0x2] =	stream.indirect_vreg.gather [hbm4b:s6+s3], $0x80, v3, vm0, $0xb8;
	[tilespmem:$0x18400] =	vst v63  }
0x70: {  	s8 =	simm.s32 $0xFC00  }
0x71: {  	[tilespmem:s8], [sflag:$0x2] =	stream.indirect_vreg.gather [hbm4b:s7+s3], $0x80, v3, vm0, $0xb8;
	[tilespmem:$0x18400] =	vst v63  }
0x72: {  	v3 =	vld [tilespmem:$0x40];
	_ =	sdelay $0x4  }
0x73: {  	v62 =	vshll.u32 v3, $0x3  }
0x74: {  	v3 =	vand.u32 $0x7, v3;
	v4 =	vand.u32 $0xFFFFFFC0, v62  }
0x75: {  	v3 =	vor.u32 v3, v4  }
0x76: {  	v4 =	vperm.xlane v3, v0;
	_ =	sdelay $0x1  }
0x77: {  	v4 =	vadd.s32 v1, v4;
	_ =	sdelay $0x3  }
0x78: {  	s9 =	simm.s32 $0x10400  }
0x79: {  	[tilespmem:s9], [sflag:$0x3] =	stream.indirect_vreg.gather [hbm4b:s2+s3], $0x80, v4, vm0, $0xb8;
	[tilespmem:$0x18400] =	vst v63  }
0x7a: {  	s10 =	simm.s32 $0x10C00;
	v3 =	vperm.xlane v3, v2  }
0x7b: {  	[tilespmem:s10], [sflag:$0x3] =	stream.indirect_vreg.gather [hbm4b:s5+s3], $0x80, v4, vm0, $0xb8;
	[tilespmem:$0x18400] =	vst v63  }
0x7c: {  	s11 =	simm.s32 $0x11400;
	v3 =	vadd.s32 v1, v3  }
0x7d: {  	[tilespmem:s11], [sflag:$0x3] =	stream.indirect_vreg.gather [hbm4b:s6+s3], $0x80, v4, vm0, $0xb8;
	[tilespmem:$0x18400] =	vst v63  }
0x7e: {  	s12 =	simm.s32 $0x11C00  }
0x7f: {  	[tilespmem:s12], [sflag:$0x3] =	stream.indirect_vreg.gather [hbm4b:s7+s3], $0x80, v4, vm0, $0xb8;
	[tilespmem:$0x18400] =	vst v63  }
0x80: {  	s13 =	simm.s32 $0x12400  }
0x81: {  	[tilespmem:s13], [sflag:$0x3] =	stream.indirect_vreg.gather [hbm4b:s2+s3], $0x80, v3, vm0, $0xb8;
	[tilespmem:$0x18400] =	vst v63  }
0x82: {  	s14 =	simm.s32 $0x12C00  }
0x83: {  	[tilespmem:s14], [sflag:$0x3] =	stream.indirect_vreg.gather [hbm4b:s5+s3], $0x80, v3, vm0, $0xb8;
	[tilespmem:$0x18400] =	vst v63  }
0x84: {  	s15 =	simm.s32 $0x13400  }
0x85: {  	[tilespmem:s15], [sflag:$0x3] =	stream.indirect_vreg.gather [hbm4b:s6+s3], $0x80, v3, vm0, $0xb8;
	[tilespmem:$0x18400] =	vst v63  }
0x86: {  	s16 =	simm.s32 $0x13C00  }
0x87: {  	[tilespmem:s16], [sflag:$0x3] =	stream.indirect_vreg.gather [hbm4b:s7+s3], $0x80, v3, vm0, $0xb8;
	[tilespmem:$0x18400] =	vst v63  }
0x88: {  	v3 =	vld [tilespmem:$0x50];
	_ =	sdelay $0x4  }
0x89: {  	v63 =	vshll.u32 v3, $0x3  }
0x8a: {  	v3 =	vand.u32 $0x7, v3;
	v4 =	vand.u32 $0xFFFFFFC0, v63  }
0x8b: {  	v3 =	vor.u32 v3, v4  }
0x8c: {  	v4 =	vperm.xlane v3, v0;
	_ =	sdelay $0x1  }
0x8d: {  	v4 =	vadd.s32 v1, v4;
	_ =	sdelay $0x3  }
0x8e: {  	s17 =	simm.s32 $0x14400;
	s18 =	simm.s32 $0x14C00;
	s19 =	simm.s32 $0x15400  }
0x8f: {  	[tilespmem:s17], [sflag:$0x3] =	stream.indirect_vreg.gather [hbm4b:s2+s3], $0x80, v4, vm0, $0xb8;
	[tilespmem:$0x18400] =	vst v63  }
0x90: {  	s25 =	simm.s32 $0x15C00;
	s26 =	simm.s32 $0x16400;
	s28 =	simm.s32 $0x16C00;
	v3 =	vperm.xlane v3, v2  }
0x91: {  	[tilespmem:s18], [sflag:$0x3] =	stream.indirect_vreg.gather [hbm4b:s5+s3], $0x80, v4, vm0, $0xb8;
	[tilespmem:$0x18400] =	vst v63  }
0x92: {  	s30 =	simm.s32 $0x17400;
	s31 =	simm.s32 $0x17C00;
	s1 =	simm.s32 $0x9C00;
	v3 =	vadd.s32 v1, v3  }
0x93: {  	[tilespmem:s19], [sflag:$0x3] =	stream.indirect_vreg.gather [hbm4b:s6+s3], $0x80, v4, vm0, $0xb8;
	[tilespmem:$0x18400] =	vst v63  }
0x94: {  	s4 =	simm.s32 $0x2400;
	s8 =	simm.s32 $0x2C00;
	s9 =	simm.s32 $0x3400  }
0x95: {  	[tilespmem:s25], [sflag:$0x3] =	stream.indirect_vreg.gather [hbm4b:s7+s3], $0x80, v4, vm0, $0xb8;
	[tilespmem:$0x18400] =	vst v63  }
0x96: {  	s10 =	simm.s32 $0x3C00;
	s11 =	simm.s32 $0x4400;
	s12 =	simm.s32 $0x9400  }
0x97: {  	[tilespmem:s26], [sflag:$0x3] =	stream.indirect_vreg.gather [hbm4b:s2+s3], $0x80, v3, vm0, $0xb8;
	[tilespmem:$0x18400] =	vst v63  }
0x98: {  	s13 =	simm.s32 $0x4C00;
	s14 =	simm.s32 $0x5400;
	s15 =	simm.s32 $0x5C00  }
0x99: {  	[tilespmem:s28], [sflag:$0x3] =	stream.indirect_vreg.gather [hbm4b:s5+s3], $0x80, v3, vm0, $0xb8;
	[tilespmem:$0x18400] =	vst v63  }
0x9a: {  	s16 =	simm.s32 $0x6400;
	s17 =	simm.s32 $0x6C00;
	s18 =	simm.s32 $0x7400  }
0x9b: {  	[tilespmem:s30], [sflag:$0x3] =	stream.indirect_vreg.gather [hbm4b:s6+s3], $0x80, v3, vm0, $0xb8;
	[tilespmem:$0x18400] =	vst v63  }
0x9c: {  	s19 =	simm.s32 $0x7C00;
	s25 =	simm.s32 $0x90;
	s26 =	simm.s32 $0x0  }
0x9d: {  	[tilespmem:s31], [sflag:$0x3] =	stream.indirect_vreg.gather [hbm4b:s7+s3], $0x80, v3, vm0, $0xb8;
	[tilespmem:$0x18400] =	vst v63  }
.LBB2_2:
0x9e: {  	p0 =	seq.s32 s26, $0x0  }
0x9f: {  	s28 =	simm.s32 @!p0 $0x6  }
0xa0: {  	_ =	swait.ge @!p0 [sflag:s28], $0x8000  }
0xa1: {  	[sflag:s28] =	ssyncset.done @!p0 $0x0  }
0xa2: {  	[sflag:s28] =	ssyncadd.s32 @!p0 $0xFFFF8000  }
0xa3: {  	v3 =	vld @!p0 [tilespmem:s25+$0xFFFFFFB0];
	_ =	sdelay $0x4  }
0xa4: {  	v4 =	vshll.u32 @!p0 v3, $0x3  }
0xa5: {  	v5 =	vlaneseq.u32 @!p0;
	v3 =	vand.u32 @!p0 $0x7, v3;
	v4 =	vand.u32 @!p0 $0xFFFFFFC0, v4  }
0xa6: {  	v6 =	vshrl.u32 @!p0 v5, $0x3;
	v3 =	vor.u32 @!p0 v3, v4;
	v4 =	vand.u32 @!p0 $0x7, v5  }
0xa7: {  	v6 =	vmul.u32 @!p0 $0x8, v6;
	v7 =	vperm.xlane @!p0 v3, v4;
	_ =	sdelay $0x1  }
0xa8: {  	v7 =	vadd.s32 @!p0 v6, v7;
	_ =	sdelay $0x3  }
0xa9: {  	vm1 =	vmmov @!p0 $0xffff;
	s30 =	simm.s32 @!p0 $0x10400;
	s28 =	simm.s32 @!p0 $0x0  }
0xaa: {  	v5 =	vor.u32 @!p0 $0x8, v5;
	[tilespmem:s30], [sflag:$0x3] =	stream.indirect_vreg.gather @!p0 [hbm4b:s2+s28], $0x80, v7, vm1, $0xb8;
	[tilespmem:$0x18400] =	vst v63  }
0xab: {  	v3 =	vperm.xlane @!p0 v3, v5;
	s30 =	simm.s32 @!p0 $0x10C00  }
0xac: {  	[tilespmem:s30], [sflag:$0x3] =	stream.indirect_vreg.gather @!p0 [hbm4b:s5+s28], $0x80, v7, vm1, $0xb8;
	[tilespmem:$0x18400] =	vst v63  }
0xad: {  	v3 =	vadd.s32 @!p0 v6, v3;
	s30 =	simm.s32 @!p0 $0x11400  }
0xae: {  	[tilespmem:s30], [sflag:$0x3] =	stream.indirect_vreg.gather @!p0 [hbm4b:s6+s28], $0x80, v7, vm1, $0xb8;
	[tilespmem:$0x18400] =	vst v63  }
0xaf: {  	s30 =	simm.s32 @!p0 $0x11C00  }
0xb0: {  	[tilespmem:s30], [sflag:$0x3] =	stream.indirect_vreg.gather @!p0 [hbm4b:s7+s28], $0x80, v7, vm1, $0xb8;
	[tilespmem:$0x18400] =	vst v63  }
0xb1: {  	s30 =	simm.s32 @!p0 $0x12400  }
0xb2: {  	[tilespmem:s30], [sflag:$0x3] =	stream.indirect_vreg.gather @!p0 [hbm4b:s2+s28], $0x80, v3, vm1, $0xb8;
	[tilespmem:$0x18400] =	vst v63  }
0xb3: {  	s30 =	simm.s32 @!p0 $0x12C00  }
0xb4: {  	[tilespmem:s30], [sflag:$0x3] =	stream.indirect_vreg.gather @!p0 [hbm4b:s5+s28], $0x80, v3, vm1, $0xb8;
	[tilespmem:$0x18400] =	vst v63  }
0xb5: {  	s30 =	simm.s32 @!p0 $0x13400  }
0xb6: {  	[tilespmem:s30], [sflag:$0x3] =	stream.indirect_vreg.gather @!p0 [hbm4b:s6+s28], $0x80, v3, vm1, $0xb8;
	[tilespmem:$0x18400] =	vst v63  }
0xb7: {  	s30 =	simm.s32 @!p0 $0x13C00  }
0xb8: {  	[tilespmem:s30], [sflag:$0x3] =	stream.indirect_vreg.gather @!p0 [hbm4b:s7+s28], $0x80, v3, vm1, $0xb8;
	[tilespmem:$0x18400] =	vst v63  }
0xb9: {  	v3 =	vld @!p0 [tilespmem:s25+$0xFFFFFFC0];
	_ =	sdelay $0x4  }
0xba: {  	v7 =	vshll.u32 @!p0 v3, $0x3  }
0xbb: {  	v3 =	vand.u32 @!p0 $0x7, v3;
	v7 =	vand.u32 @!p0 $0xFFFFFFC0, v7  }
0xbc: {  	v3 =	vor.u32 @!p0 v3, v7  }
0xbd: {  	v4 =	vperm.xlane @!p0 v3, v4;
	_ =	sdelay $0x1  }
0xbe: {  	v4 =	vadd.s32 @!p0 v6, v4;
	_ =	sdelay $0x3  }
0xbf: {  	s30 =	simm.s32 @!p0 $0x14400  }
0xc0: {  	[tilespmem:s30], [sflag:$0x3] =	stream.indirect_vreg.gather @!p0 [hbm4b:s2+s28], $0x80, v4, vm1, $0xb8;
	[tilespmem:$0x18400] =	vst v63  }
0xc1: {  	v3 =	vperm.xlane @!p0 v3, v5;
	s30 =	simm.s32 @!p0 $0x14C00  }
0xc2: {  	[tilespmem:s30], [sflag:$0x3] =	stream.indirect_vreg.gather @!p0 [hbm4b:s5+s28], $0x80, v4, vm1, $0xb8;
	[tilespmem:$0x18400] =	vst v63  }
0xc3: {  	v3 =	vadd.s32 @!p0 v6, v3;
	s30 =	simm.s32 @!p0 $0x15400  }
0xc4: {  	[tilespmem:s30], [sflag:$0x3] =	stream.indirect_vreg.gather @!p0 [hbm4b:s6+s28], $0x80, v4, vm1, $0xb8;
	[tilespmem:$0x18400] =	vst v63  }
0xc5: {  	s30 =	simm.s32 @!p0 $0x15C00  }
0xc6: {  	[tilespmem:s30], [sflag:$0x3] =	stream.indirect_vreg.gather @!p0 [hbm4b:s7+s28], $0x80, v4, vm1, $0xb8;
	[tilespmem:$0x18400] =	vst v63  }
0xc7: {  	s30 =	simm.s32 @!p0 $0x16400  }
0xc8: {  	[tilespmem:s30], [sflag:$0x3] =	stream.indirect_vreg.gather @!p0 [hbm4b:s2+s28], $0x80, v3, vm1, $0xb8;
	[tilespmem:$0x18400] =	vst v63  }
0xc9: {  	s30 =	simm.s32 @!p0 $0x16C00  }
0xca: {  	[tilespmem:s30], [sflag:$0x3] =	stream.indirect_vreg.gather @!p0 [hbm4b:s5+s28], $0x80, v3, vm1, $0xb8;
	[tilespmem:$0x18400] =	vst v63  }
0xcb: {  	s30 =	simm.s32 @!p0 $0x17400  }
0xcc: {  	[tilespmem:s30], [sflag:$0x3] =	stream.indirect_vreg.gather @!p0 [hbm4b:s6+s28], $0x80, v3, vm1, $0xb8;
	[tilespmem:$0x18400] =	vst v63  }
0xcd: {  	s30 =	simm.s32 @!p0 $0x17C00  }
0xce: {  	[tilespmem:s30], [sflag:$0x3] =	stream.indirect_vreg.gather @!p0 [hbm4b:s7+s28], $0x80, v3, vm1, $0xb8;
	[tilespmem:$0x18400] =	vst v63  }
0xcf: {  	_ =	swait.ge [sflag:s20], $0x8000  }
0xd0: {  	s0 =	rddreg [dreg:$0x4];
	[sflag:s20] =	ssyncset.done $0x0  }
0xd1: {  	s30 =	simm.s32 $0x400;
	[sflag:s20] =	ssyncadd.s32 $0xFFFF8000;
	s28 =	sadd.s32 s26, s0  }
0xd2: {  	[hbm4b:s28+s3] =	stream.linear.scatter [tilespmem:s30], [sflag:$0x4], $0x8000, $0x38;
	[tilespmem:$0x18400] =	vst v63  }
0xd3: {  	_ =	swait.ge [sflag:s21], $0x8000  }
0xd4: {  	[sflag:s21] =	ssyncset.done $0x0  }
0xd5: {  	[sflag:s21] =	ssyncadd.s32 $0xFFFF8000  }
0xd6: {  	v3 =	vld [tilespmem:s25+$0xFFFFFFD0];
	_ =	sdelay $0x4  }
0xd7: {  	v60 =	vshll.u32 v3, $0x3  }
0xd8: {  	v3 =	vand.u32 $0x7, v3;
	v4 =	vand.u32 $0xFFFFFFC0, v60  }
0xd9: {  	v3 =	vor.u32 v3, v4  }
0xda: {  	v4 =	vperm.xlane v3, v0;
	_ =	sdelay $0x1  }
0xdb: {  	v4 =	vadd.s32 v1, v4;
	_ =	sdelay $0x4  }
0xdc: {  	[tilespmem:s30], [sflag:$0x1] =	stream.indirect_vreg.gather [hbm4b:s2+s3], $0x80, v4, vm0, $0xb8;
	[tilespmem:$0x18400] =	vst v63  }
0xdd: {  	s0 =	simm.s32 $0xC00;
	v3 =	vperm.xlane v3, v2  }
0xde: {  	[tilespmem:s0], [sflag:$0x1] =	stream.indirect_vreg.gather [hbm4b:s5+s3], $0x80, v4, vm0, $0xb8;
	[tilespmem:$0x18400] =	vst v63  }
0xdf: {  	v3 =	vadd.s32 v1, v3;
	s0 =	simm.s32 $0x1400  }
0xe0: {  	[tilespmem:s0], [sflag:$0x1] =	stream.indirect_vreg.gather [hbm4b:s6+s3], $0x80, v4, vm0, $0xb8;
	[tilespmem:$0x18400] =	vst v63  }
0xe1: {  	s0 =	simm.s32 $0x1C00  }
0xe2: {  	[tilespmem:s0], [sflag:$0x1] =	stream.indirect_vreg.gather [hbm4b:s7+s3], $0x80, v4, vm0, $0xb8;
	[tilespmem:$0x18400] =	vst v63  }
0xe3: {  	_ = 	snop  }
0xe4: {  	[tilespmem:s4], [sflag:$0x1] =	stream.indirect_vreg.gather [hbm4b:s2+s3], $0x80, v3, vm0, $0xb8;
	[tilespmem:$0x18400] =	vst v63  }
0xe5: {  	_ = 	snop  }
0xe6: {  	[tilespmem:s8], [sflag:$0x1] =	stream.indirect_vreg.gather [hbm4b:s5+s3], $0x80, v3, vm0, $0xb8;
	[tilespmem:$0x18400] =	vst v63  }
0xe7: {  	_ = 	snop  }
0xe8: {  	[tilespmem:s9], [sflag:$0x1] =	stream.indirect_vreg.gather [hbm4b:s6+s3], $0x80, v3, vm0, $0xb8;
	[tilespmem:$0x18400] =	vst v63  }
0xe9: {  	_ = 	snop  }
0xea: {  	[tilespmem:s10], [sflag:$0x1] =	stream.indirect_vreg.gather [hbm4b:s7+s3], $0x80, v3, vm0, $0xb8;
	[tilespmem:$0x18400] =	vst v63  }
0xeb: {  	v3 =	vld [tilespmem:s25+$0xFFFFFFE0];
	_ =	sdelay $0x4  }
0xec: {  	v61 =	vshll.u32 v3, $0x3  }
0xed: {  	v3 =	vand.u32 $0x7, v3;
	v4 =	vand.u32 $0xFFFFFFC0, v61  }
0xee: {  	v3 =	vor.u32 v3, v4  }
0xef: {  	v4 =	vperm.xlane v3, v0;
	_ =	sdelay $0x1  }
0xf0: {  	v4 =	vadd.s32 v1, v4;
	_ =	sdelay $0x4  }
0xf1: {  	[tilespmem:s11], [sflag:$0x1] =	stream.indirect_vreg.gather [hbm4b:s2+s3], $0x80, v4, vm0, $0xb8;
	[tilespmem:$0x18400] =	vst v63  }
0xf2: {  	v3 =	vperm.xlane v3, v2  }
0xf3: {  	[tilespmem:s13], [sflag:$0x1] =	stream.indirect_vreg.gather [hbm4b:s5+s3], $0x80, v4, vm0, $0xb8;
	[tilespmem:$0x18400] =	vst v63  }
0xf4: {  	v3 =	vadd.s32 v1, v3  }
0xf5: {  	[tilespmem:s14], [sflag:$0x1] =	stream.indirect_vreg.gather [hbm4b:s6+s3], $0x80, v4, vm0, $0xb8;
	[tilespmem:$0x18400] =	vst v63  }
0xf6: {  	_ = 	snop  }
0xf7: {  	[tilespmem:s15], [sflag:$0x1] =	stream.indirect_vreg.gather [hbm4b:s7+s3], $0x80, v4, vm0, $0xb8;
	[tilespmem:$0x18400] =	vst v63  }
0xf8: {  	_ = 	snop  }
0xf9: {  	[tilespmem:s16], [sflag:$0x1] =	stream.indirect_vreg.gather [hbm4b:s2+s3], $0x80, v3, vm0, $0xb8;
	[tilespmem:$0x18400] =	vst v63  }
0xfa: {  	_ = 	snop  }
0xfb: {  	[tilespmem:s17], [sflag:$0x1] =	stream.indirect_vreg.gather [hbm4b:s5+s3], $0x80, v3, vm0, $0xb8;
	[tilespmem:$0x18400] =	vst v63  }
0xfc: {  	_ = 	snop  }
0xfd: {  	[tilespmem:s18], [sflag:$0x1] =	stream.indirect_vreg.gather [hbm4b:s6+s3], $0x80, v3, vm0, $0xb8;
	[tilespmem:$0x18400] =	vst v63  }
0xfe: {  	_ = 	snop  }
0xff: {  	[tilespmem:s19], [sflag:$0x1] =	stream.indirect_vreg.gather [hbm4b:s7+s3], $0x80, v3, vm0, $0xb8;
	[tilespmem:$0x18400] =	vst v63  }
0x100: {  	_ =	swait.ge [sflag:s22], $0x8000  }
0x101: {  	[sflag:s22] =	ssyncset.done $0x0  }
0x102: {  	s30 =	sadd.s32 $0x1000, s28;
	[sflag:s22] =	ssyncadd.s32 $0xFFFF8000  }
0x103: {  	[hbm4b:s30+s3] =	stream.linear.scatter [tilespmem:s29], [sflag:$0x5], $0x8000, $0x38;
	[tilespmem:$0x18400] =	vst v63  }
0x104: {  	_ =	swait.ge [sflag:s23], $0x8000  }
0x105: {  	[sflag:s23] =	ssyncset.done $0x0  }
0x106: {  	[sflag:s23] =	ssyncadd.s32 $0xFFFF8000  }
0x107: {  	v3 =	vld [tilespmem:s25+$0xFFFFFFF0];
	_ =	sdelay $0x4  }
0x108: {  	v62 =	vshll.u32 v3, $0x3  }
0x109: {  	v3 =	vand.u32 $0x7, v3;
	v4 =	vand.u32 $0xFFFFFFC0, v62  }
0x10a: {  	v3 =	vor.u32 v3, v4  }
0x10b: {  	v4 =	vperm.xlane v3, v0;
	_ =	sdelay $0x1  }
0x10c: {  	v4 =	vadd.s32 v1, v4;
	_ =	sdelay $0x4  }
0x10d: {  	[tilespmem:s29], [sflag:$0x2] =	stream.indirect_vreg.gather [hbm4b:s2+s3], $0x80, v4, vm0, $0xb8;
	[tilespmem:$0x18400] =	vst v63  }
0x10e: {  	s30 =	simm.s32 $0x8C00;
	v3 =	vperm.xlane v3, v2  }
0x10f: {  	[tilespmem:s30], [sflag:$0x2] =	stream.indirect_vreg.gather [hbm4b:s5+s3], $0x80, v4, vm0, $0xb8;
	[tilespmem:$0x18400] =	vst v63  }
0x110: {  	v3 =	vadd.s32 v1, v3  }
0x111: {  	[tilespmem:s12], [sflag:$0x2] =	stream.indirect_vreg.gather [hbm4b:s6+s3], $0x80, v4, vm0, $0xb8;
	[tilespmem:$0x18400] =	vst v63  }
0x112: {  	_ = 	snop  }
0x113: {  	[tilespmem:s1], [sflag:$0x2] =	stream.indirect_vreg.gather [hbm4b:s7+s3], $0x80, v4, vm0, $0xb8;
	[tilespmem:$0x18400] =	vst v63  }
0x114: {  	s0 =	simm.s32 $0xA400  }
0x115: {  	[tilespmem:s0], [sflag:$0x2] =	stream.indirect_vreg.gather [hbm4b:s2+s3], $0x80, v3, vm0, $0xb8;
	[tilespmem:$0x18400] =	vst v63  }
0x116: {  	s0 =	simm.s32 $0xAC00  }
0x117: {  	[tilespmem:s0], [sflag:$0x2] =	stream.indirect_vreg.gather [hbm4b:s5+s3], $0x80, v3, vm0, $0xb8;
	[tilespmem:$0x18400] =	vst v63  }
0x118: {  	s0 =	simm.s32 $0xB400  }
0x119: {  	[tilespmem:s0], [sflag:$0x2] =	stream.indirect_vreg.gather [hbm4b:s6+s3], $0x80, v3, vm0, $0xb8;
	[tilespmem:$0x18400] =	vst v63  }
0x11a: {  	s0 =	simm.s32 $0xBC00  }
0x11b: {  	[tilespmem:s0], [sflag:$0x2] =	stream.indirect_vreg.gather [hbm4b:s7+s3], $0x80, v3, vm0, $0xb8;
	[tilespmem:$0x18400] =	vst v63  }
0x11c: {  	v3 =	vld [tilespmem:s25+$0x0];
	_ =	sdelay $0x4  }
0x11d: {  	v63 =	vshll.u32 v3, $0x3  }
0x11e: {  	v3 =	vand.u32 $0x7, v3;
	v4 =	vand.u32 $0xFFFFFFC0, v63  }
0x11f: {  	v3 =	vor.u32 v3, v4  }
0x120: {  	v4 =	vperm.xlane v3, v0;
	_ =	sdelay $0x1  }
0x121: {  	v4 =	vadd.s32 v1, v4;
	_ =	sdelay $0x3  }
0x122: {  	s0 =	simm.s32 $0xC400  }
0x123: {  	[tilespmem:s0], [sflag:$0x2] =	stream.indirect_vreg.gather [hbm4b:s2+s3], $0x80, v4, vm0, $0xb8;
	[tilespmem:$0x18400] =	vst v63  }
0x124: {  	v3 =	vperm.xlane v3, v2;
	s0 =	simm.s32 $0xCC00  }
0x125: {  	[tilespmem:s0], [sflag:$0x2] =	stream.indirect_vreg.gather [hbm4b:s5+s3], $0x80, v4, vm0, $0xb8;
	[tilespmem:$0x18400] =	vst v63  }
0x126: {  	v3 =	vadd.s32 v1, v3;
	s0 =	simm.s32 $0xD400  }
0x127: {  	[tilespmem:s0], [sflag:$0x2] =	stream.indirect_vreg.gather [hbm4b:s6+s3], $0x80, v4, vm0, $0xb8;
	[tilespmem:$0x18400] =	vst v63  }
0x128: {  	s0 =	simm.s32 $0xDC00  }
0x129: {  	[tilespmem:s0], [sflag:$0x2] =	stream.indirect_vreg.gather [hbm4b:s7+s3], $0x80, v4, vm0, $0xb8;
	[tilespmem:$0x18400] =	vst v63  }
0x12a: {  	s0 =	simm.s32 $0xE400  }
0x12b: {  	[tilespmem:s0], [sflag:$0x2] =	stream.indirect_vreg.gather [hbm4b:s2+s3], $0x80, v3, vm0, $0xb8;
	[tilespmem:$0x18400] =	vst v63  }
0x12c: {  	s0 =	simm.s32 $0xEC00  }
0x12d: {  	[tilespmem:s0], [sflag:$0x2] =	stream.indirect_vreg.gather [hbm4b:s5+s3], $0x80, v3, vm0, $0xb8;
	[tilespmem:$0x18400] =	vst v63  }
0x12e: {  	s26 =	sadd.s32 $0x3000, s26;
	s0 =	simm.s32 $0xF400  }
0x12f: {  	[tilespmem:s0], [sflag:$0x2] =	stream.indirect_vreg.gather [hbm4b:s6+s3], $0x80, v3, vm0, $0xb8;
	[tilespmem:$0x18400] =	vst v63  }
0x130: {  	p0 =	sne.s32 s26, $0x1E000;
	s0 =	simm.s32 $0xFC00  }
0x131: {  	[tilespmem:s0], [sflag:$0x2] =	stream.indirect_vreg.gather [hbm4b:s7+s3], $0x80, v3, vm0, $0xb8;
	[tilespmem:$0x18400] =	vst v63  }
.Ltmp0:
0x132: {  	_ = 	snop;
	(pc) =	sbr.rel @p0 .LBB2_2-.Ltmp0, $4  }
0x133: {  	_ =	swait.ge [sflag:s24], $0x8000  }
0x134: {  	s31 =	simm.s32 $0x400;
	s28 =	sadd.s32 $0x2000, s28;
	[sflag:s24] =	ssyncset.done $0x0  }
0x135: {  	s25 =	sadd.s32 $0x60, s25;
	s0 =	simm.s32 $0x10400;
	[sflag:s24] =	ssyncadd.s32 $0xFFFF8000  }
0x136: {  	[hbm4b:s28+s3] =	stream.linear.scatter [tilespmem:s0], [sflag:$0x6], $0x8000, $0x38;
	[tilespmem:$0x18400] =	vst v63  }
0x137: {  	_ =	swait.ge [sflag:s20], $0x8000  }
0x138: {  	[sflag:s20] =	ssyncset.done $0x0  }
0x139: {  	s25 =	rddreg [dreg:$0x6];
	[sflag:s20] =	ssyncadd.s32 $0xFFFF8000  }
0x13a: {  	[hbm4b:s25+s3] =	stream.linear.scatter [tilespmem:s31], [sflag:$0x4], $0x8000, $0x38;
	[tilespmem:$0x18400] =	vst v63  }
0x13b: {  	_ =	swait.ge [sflag:s22], $0x8000  }
0x13c: {  	[sflag:s22] =	ssyncset.done $0x0  }
0x13d: {  	s0 =	simm.s32 $0x6;
	s19 =	rddreg [dreg:$0x7];
	[sflag:s22] =	ssyncadd.s32 $0xFFFF8000  }
0x13e: {  	[hbm4b:s19+s3] =	stream.linear.scatter [tilespmem:s29], [sflag:$0x5], $0x8000, $0x38;
	[tilespmem:$0x18400] =	vst v63  }
0x13f: {  	_ =	swait.ge [sflag:s0], $0x8000  }
0x140: {  	[sflag:s0] =	ssyncset.done $0x0  }
0x141: {  	[sflag:s0] =	ssyncadd.s32 $0xFFFF8000  }
0x142: {  	_ =	swait.ge [sflag:s21], $0x8000  }
0x143: {  	[sflag:s21] =	ssyncset.done $0x0  }
0x144: {  	[sflag:s21] =	ssyncadd.s32 $0xFFFF8000  }
0x145: {  	s1 =	simm.s32 $0x1400;
	_ =	swait.ge [sflag:s23], $0x8000  }
0x146: {  	s4 =	simm.s32 $0x2400;
	s8 =	simm.s32 $0x2C00;
	s25 =	rddreg [dreg:$0x9]  }
0x147: {  	s9 =	simm.s32 $0x3400;
	s26 =	rddreg [dreg:$0x8];
	s0 =	sadd.s32 $0x1, s25  }
0x148: {  	s10 =	simm.s32 $0x3C00;
	s11 =	simm.s32 $0x4400;
	p0 =	sne.s32 s0, s26  }
.Ltmp1:
0x149: {  	s13 =	simm.s32 $0x4C00;
	s14 =	simm.s32 $0x5400;
	(pc) =	sbr.rel @p0 .LBB2_1-.Ltmp1, $4  }
0x14a: {  	s15 =	simm.s32 $0x5C00;
	s16 =	simm.s32 $0x6400;
	s17 =	simm.s32 $0x6C00  }
0x14b: {  	s18 =	simm.s32 $0x7400;
	s12 =	simm.s32 $0x9400;
	[sflag:s23] =	ssyncset.done $0x0  }
0x14c: {  	s28 =	simm.s32 $0x9C00;
	s19 =	simm.s32 $0x7C00;
	[sflag:s23] =	ssyncadd.s32 $0xFFFF8000  }
0x14d: {  	[dreg:$0x9] =	wrdreg s0;
	s26 =	simm.s32 $0xC00;
	s0 =	simm.s32 $0x1C00  }
0x14e: {  	_ =	sfence.sel $0x180000  }
0x14f: {  	[bflag:$0x0] =	sbarrier.arrive $0xFFFF  }
0x150: {  	_ =	strace $0x90000047  }
0x151: {  	s0 =	stileid.u32;
	[bflag:$0x2] =	sbarrier.arrive $0xFFFF  }
0x152: {  	p0 =	sne.s32 s0, $0x0;
	s0 =	rddreg [dreg:$0x3]  }
0x153: {  	s0 =	sadd.s32 @!p0 $0x100000, s0  }
0x154: {  	[sflag:s0] =	ssyncadd.tile.s32 @!p0 $0x1;
	_ =	shalt  }
.Lfunc_end2:
_tile_overlayer_lowered:
.L_overlay_start_2:
0x155: {  	(tag) =	ssettag $0x2  }
0x156: {  	s0 =	rddreg [dreg:$0x0];
	s2 =	stileid.u32  }
0x157: {  	s1 =	rddreg [dreg:$0x1];
	p0 =	sne.s32 s2, $0x0  }
0x158: {  	s3 =	rddreg [dreg:$0x2];
	[bflag:$0x3] =	sbarrier.arrive $0xFFFF;
	s2 =	simm.s32 @!p0 $0x1C07  }
0x159: {  	[timem:s3], [sflag:s2] =	dma.local @!p0 [hbm:s0], s1  }
0x15a: {  	s0 =	simm.s32 @!p0 $0x7  }
0x15b: {  	_ =	swait.ge @!p0 [sflag:s0], s1  }
0x15c: {  	s1 =	ssub.s32 @!p0 $0x0, s1;
	[sflag:s0] =	ssyncset.done @!p0 $0x0  }
0x15d: {  	[sflag:s0] =	ssyncadd.s32 @!p0 s1  }
0x15e: {  	[bflag:$0x3] =	sbarrier.arrive $0xFFFF  }
0x15f: {  	_ =	shalt  }

</sc_bundles>
